<compile_context>
chip_gen: v7x
topology: tpu7x:2x2x1
jax: 0.10.2.dev20260603
libtpu: 0.0.44.dev20260713+nightly
codegen_flags: <defaults>
</compile_context>

<pallas_src>
import functools

import jax
import jax.numpy as jnp
from jax import lax
from jax.experimental import pallas as pl
from jax.experimental.pallas import tpu as pltpu
from jax.experimental.pallas import tpu_sc as plsc

VOCAB = 1000000
DIM = 64
BATCH = 4096
HIST = 200

NC = 2
NS = 16
NW = NC * NS
BAT_PER_W = BATCH // NW

_mesh = plsc.VectorSubcoreMesh(core_axis_name="c", subcore_axis_name="s")


@functools.partial(
    pl.kernel,
    mesh=_mesh,
    out_type=jax.ShapeDtypeStruct((BATCH, HIST, DIM), jnp.float32),
    scratch_types=[
        pltpu.VMEM((BAT_PER_W, HIST), jnp.int32),
        pltpu.VMEM((2, HIST, DIM), jnp.float32),
        pltpu.SemaphoreType.DMA,
        pltpu.SemaphoreType.DMA,
        pltpu.SemaphoreType.DMA,
        pltpu.SemaphoreType.DMA,
    ],
)
def _sc_gather(idx_hbm, table_hbm, out_hbm, idx_v, rows_v, ga, gb, wa, wb):
    wid = lax.axis_index("s") * NC + lax.axis_index("c")
    bbase = wid * BAT_PER_W
    pltpu.sync_copy(idx_hbm.at[wid], idx_v)

    def fire(b, slot, gsem):
        def group(jj, carry):
            j0 = jj * 16
            v = idx_v[b, pl.ds(j0, 16)]
            for k in range(16):
                pltpu.async_copy(
                    table_hbm.at[pl.ds(v[k], 1)],
                    rows_v.at[slot, pl.ds(j0 + k, 1)],
                    gsem,
                )
            return carry

        lax.fori_loop(0, 12, group, 0)
        v = idx_v[b, pl.ds(HIST - 16, 16)]
        for k in range(8, 16):
            pltpu.async_copy(
                table_hbm.at[pl.ds(v[k], 1)],
                rows_v.at[slot, pl.ds(HIST - 16 + k, 1)],
                gsem,
            )

    def drain(sem):
        pltpu.make_async_copy(
            table_hbm.at[pl.ds(0, HIST)], rows_v.at[0], sem
        ).wait()

    def step(b2, carry):
        b0 = 2 * b2

        @pl.when(b2 > 0)
        def _():
            drain(wa)

        fire(b0, 0, ga)

        @pl.when(b2 > 0)
        def _():
            drain(wb)

        fire(b0 + 1, 1, gb)
        drain(ga)
        pltpu.async_copy(rows_v.at[0], out_hbm.at[bbase + b0], wa)
        drain(gb)
        pltpu.async_copy(rows_v.at[1], out_hbm.at[bbase + b0 + 1], wb)
        return carry

    lax.fori_loop(0, BAT_PER_W // 2, step, 0)
    drain(wa)
    drain(wb)


def kernel(vocab_word_idx, vocab_embedding_table):
    idx = vocab_word_idx.reshape(NW, BAT_PER_W, HIST)
    return _sc_gather(idx, vocab_embedding_table)

# --- scband reference (transcript-rebuilt; emitter-appended) ---
"""Pipeline reference for scband-embedding-with-unknowns-2164663517843 (READ-ONLY COPY).

The authoritative reference and input builder live on the scoring server;
editing this copy changes nothing except your own understanding.
"""

import jax, jax.numpy as jnp
import numpy as np

VOCAB = 1000000
DIM = 64
PAD_IDX = 0
BATCH = 4096
HIST = 200


def setup_inputs(seed: int = 0) -> dict:
    key = jax.random.key(seed)
    k_idx, k_tab = jax.random.split(key)
    vocab_word_idx = jax.random.randint(k_idx, (BATCH, HIST), 0, VOCAB, dtype=jnp.int32)
    vocab_embedding_table = jax.random.normal(k_tab, (VOCAB, DIM), dtype=jnp.float32) * 0.02
    # padding_idx row is zero, mirroring nn.Embedding(padding_idx=PAD_IDX)
    vocab_embedding_table = vocab_embedding_table.at[PAD_IDX].set(0.0)
    return {"vocab_word_idx": vocab_word_idx, "vocab_embedding_table": vocab_embedding_table}


def reference(vocab_word_idx, vocab_embedding_table):
    # Config: obfuscation_type='none', use_vocab=True, use_hashing_trick=False.
    # Forward path: embedding lookup (dropout is identity in eval) + pad masking.
    emb = jnp.take(vocab_embedding_table, vocab_word_idx, axis=0)  # [B, L, D] gather
    pad_mask = (vocab_word_idx == PAD_IDX)[..., None]              # [B, L, 1]
    out = jnp.where(pad_mask, 0.0, emb)                            # masked_fill(pad, 0)
    return out

if __name__ == "__main__":
    import jax
    _d = setup_inputs()
    print(jax.jit(kernel)(*tuple(_d.values())))

</pallas_src>

<mosaic_0001>
#map = affine_map<(d0, d1) -> (0, 0, 0)>
#map1 = affine_map<(d0, d1) -> (0, 0)>
module attributes {stable_mosaic.version = 14 : i64} {
  func.func @_sc_gather(%arg0: i32, %arg1: i32, %arg2: memref<32x128x200xi32, #tpu.memory_space<hbm>>, %arg3: memref<1000000x64xf32, #tpu.memory_space<hbm>>, %arg4: memref<4096x200x64xf32, #tpu.memory_space<hbm>>, %arg5: memref<128x200xi32, #tpu.memory_space<vmem>>, %arg6: memref<2x200x64xf32, #tpu.memory_space<vmem>>, %arg7: memref<!tpu.dma_semaphore, #tpu.memory_space<semaphore_mem>>, %arg8: memref<!tpu.dma_semaphore, #tpu.memory_space<semaphore_mem>>, %arg9: memref<!tpu.dma_semaphore, #tpu.memory_space<semaphore_mem>>, %arg10: memref<!tpu.dma_semaphore, #tpu.memory_space<semaphore_mem>>) attributes {dimension_semantics = [#tpu.dimension_semantics<core_parallel>, #tpu.dimension_semantics<subcore_parallel>], iteration_bounds = array<i64: 2, 16>, scalar_prefetch = 0 : i64, scratch_operands = 6 : i64, tpu.core_type = #tpu.core_type<sc_vector_subcore>, window_params = [{transform_indices = #map}, {transform_indices = #map1}, {transform_indices = #map}]} {
    %mul3A = arith.constant 2 : i32
    %mul3A_0 = arith.muli %arg1, %mul3A : i32
    %add3A = arith.addi %mul3A_0, %arg0 : i32
    %mul3A_1 = arith.constant 128 : i32
    %mul3A_2 = arith.muli %add3A, %mul3A_1 : i32
    "tpu.region"() ({
      %run_scoped3A = tpu.sem_alloc : memref<!tpu.dma_semaphore, #tpu.memory_space<semaphore_mem>>
      %dma_start3A = arith.constant 0 : i32
      %dma_start3A_37 = arith.constant 0 : i32
      %dma_start3A_38 = tpu.memref_slice %arg2[%add3A, %dma_start3A, %dma_start3A_37] : memref<32x128x200xi32, #tpu.memory_space<hbm>> -> memref<1x128x200xi32, #tpu.memory_space<hbm>>
      %dma_start3A_39 = tpu.memref_squeeze %dma_start3A_38 : memref<1x128x200xi32, #tpu.memory_space<hbm>> -> memref<128x200xi32, #tpu.memory_space<hbm>>
      %dma_start3A_40 = arith.constant 0 : i32
      %dma_start3A_41 = arith.constant 0 : i32
      %dma_start3A_42 = tpu.memref_slice %arg2[%add3A, %dma_start3A_40, %dma_start3A_41] : memref<32x128x200xi32, #tpu.memory_space<hbm>> -> memref<1x128x200xi32, #tpu.memory_space<hbm>>
      %dma_start3A_43 = tpu.memref_squeeze %dma_start3A_42 : memref<1x128x200xi32, #tpu.memory_space<hbm>> -> memref<128x200xi32, #tpu.memory_space<hbm>>
      tpu.enqueue_dma source(%dma_start3A_43 : memref<128x200xi32, #tpu.memory_space<hbm>>) target(%arg5 : memref<128x200xi32, #tpu.memory_space<vmem>>) target_semaphore(%run_scoped3A : memref<!tpu.dma_semaphore, #tpu.memory_space<semaphore_mem>>)
      %dma_wait3A_44 = arith.constant 0 : i32
      %dma_wait3A_45 = arith.constant 0 : i32
      %dma_wait3A_46 = tpu.memref_slice %arg2[%add3A, %dma_wait3A_44, %dma_wait3A_45] : memref<32x128x200xi32, #tpu.memory_space<hbm>> -> memref<1x128x200xi32, #tpu.memory_space<hbm>>
      %dma_wait3A_47 = tpu.memref_squeeze %dma_wait3A_46 : memref<1x128x200xi32, #tpu.memory_space<hbm>> -> memref<128x200xi32, #tpu.memory_space<hbm>>
      %dma_wait3A_48 = arith.constant 0 : i32
      %dma_wait3A_49 = arith.constant 0 : i32
      %dma_wait3A_50 = tpu.memref_slice %arg2[%add3A, %dma_wait3A_48, %dma_wait3A_49] : memref<32x128x200xi32, #tpu.memory_space<hbm>> -> memref<1x128x200xi32, #tpu.memory_space<hbm>>
      %dma_wait3A_51 = tpu.memref_squeeze %dma_wait3A_50 : memref<1x128x200xi32, #tpu.memory_space<hbm>> -> memref<128x200xi32, #tpu.memory_space<hbm>>
      tpu.wait_dma2 semaphore(%run_scoped3A : memref<!tpu.dma_semaphore, #tpu.memory_space<semaphore_mem>>) src(%dma_wait3A_51 : memref<128x200xi32, #tpu.memory_space<hbm>>) dst(%arg5 : memref<128x200xi32, #tpu.memory_space<vmem>>)
      tpu.yield
    }) : () -> ()
    %scan3A = arith.constant 0 : i32
    %scan3A_3 = arith.constant 0 : i32
    %scan3A_4 = arith.constant 64 : i32
    %scan3A_5 = arith.addi %scan3A_3, %scan3A_4 : i32
    %scan3A_6 = arith.constant 1 : i32
    scf.for %scan3A_37 = %scan3A_3 to %scan3A_5 step %scan3A_6  : i32 {
      %mul3A_38 = arith.constant 2 : i32
      %mul3A_39 = arith.muli %mul3A_38, %scan3A_37 : i32
      %gt3A = arith.constant 0 : i32
      %gt3A_40 = arith.cmpi sgt, %scan3A_37, %gt3A : i32
      %convert_element_type3A = arith.extui %gt3A_40 : i1 to i32
      %cond3A = arith.constant 0 : i32
      %cond3A_41 = arith.cmpi ne, %convert_element_type3A, %cond3A : i32
      scf.if %cond3A_41 {
        %dma_wait3A_373 = arith.constant 0 : i32
        %dma_wait3A_374 = arith.constant 0 : i32
        %dma_wait3A_375 = arith.constant 0 : i32
        %dma_wait3A_376 = tpu.memref_slice %arg6[%dma_wait3A_373, %dma_wait3A_374, %dma_wait3A_375] : memref<2x200x64xf32, #tpu.memory_space<vmem>> -> memref<1x200x64xf32, #tpu.memory_space<vmem>>
        %dma_wait3A_377 = tpu.memref_squeeze %dma_wait3A_376 : memref<1x200x64xf32, #tpu.memory_space<vmem>> -> memref<200x64xf32, #tpu.memory_space<vmem>>
        %dma_wait3A_378 = arith.constant 0 : i32
        %dma_wait3A_379 = arith.constant 0 : i32
        %dma_wait3A_380 = tpu.memref_slice %arg3[%dma_wait3A_378, %dma_wait3A_379] : memref<1000000x64xf32, #tpu.memory_space<hbm>> -> memref<200x64xf32, #tpu.memory_space<hbm>>
        %dma_wait3A_381 = arith.constant 0 : i32
        %dma_wait3A_382 = arith.constant 0 : i32
        %dma_wait3A_383 = tpu.memref_slice %arg6[%dma_wait3A_373, %dma_wait3A_381, %dma_wait3A_382] : memref<2x200x64xf32, #tpu.memory_space<vmem>> -> memref<1x200x64xf32, #tpu.memory_space<vmem>>
        %dma_wait3A_384 = tpu.memref_squeeze %dma_wait3A_383 : memref<1x200x64xf32, #tpu.memory_space<vmem>> -> memref<200x64xf32, #tpu.memory_space<vmem>>
        %dma_wait3A_385 = arith.constant 0 : i32
        %dma_wait3A_386 = arith.constant 0 : i32
        %dma_wait3A_387 = tpu.memref_slice %arg3[%dma_wait3A_385, %dma_wait3A_386] : memref<1000000x64xf32, #tpu.memory_space<hbm>> -> memref<200x64xf32, #tpu.memory_space<hbm>>
        tpu.wait_dma2 semaphore(%arg9 : memref<!tpu.dma_semaphore, #tpu.memory_space<semaphore_mem>>) src(%dma_wait3A_387 : memref<200x64xf32, #tpu.memory_space<hbm>>) dst(%dma_wait3A_384 : memref<200x64xf32, #tpu.memory_space<vmem>>)
      } else {
      }
      %scan3A_42 = arith.constant 0 : i32
      %scan3A_43 = arith.constant 0 : i32
      %scan3A_44 = arith.constant 12 : i32
      %scan3A_45 = arith.addi %scan3A_43, %scan3A_44 : i32
      %scan3A_46 = arith.constant 1 : i32
      scf.for %scan3A_373 = %scan3A_43 to %scan3A_45 step %scan3A_46  : i32 {
        %mul3A_374 = arith.constant 16 : i32
        %mul3A_375 = arith.muli %scan3A_373, %mul3A_374 : i32
        %get3A_376 = arith.index_cast %mul3A_39 : i32 to index
        %get3A_377 = arith.index_cast %mul3A_375 : i32 to index
        %get3A_378 = tpu.vector_load %arg5[%get3A_376, %get3A_377] {strides = array<i32>} : memref<128x200xi32, #tpu.memory_space<vmem>>, vector<1x16xi32>,
        %get3A_379 = vector.shape_cast %get3A_378 : vector<1x16xi32> to vector<16xi32>
        %slice3A_380 = vector.extract_strided_slice %get3A_379 {offsets = [0], sizes = [1], strides = [1]} : vector<16xi32> to vector<1xi32>
        %squeeze3A_381 = vector.extract %slice3A_380[0] : i32 from vector<1xi32>
        %add3A_382 = arith.constant 0 : i32
        %add3A_383 = arith.addi %mul3A_375, %add3A_382 : i32
        %dma_start3A_384 = arith.constant 0 : i32
        %dma_start3A_385 = arith.constant 0 : i32
        %dma_start3A_386 = tpu.memref_slice %arg6[%dma_start3A_384, %add3A_383, %dma_start3A_385] : memref<2x200x64xf32, #tpu.memory_space<vmem>> -> memref<1x1x64xf32, #tpu.memory_space<vmem>>
        %dma_start3A_387 = tpu.memref_squeeze %dma_start3A_386 : memref<1x1x64xf32, #tpu.memory_space<vmem>> -> memref<1x64xf32, #tpu.memory_space<vmem>>
        %dma_start3A_388 = arith.constant 0 : i32
        %dma_start3A_389 = tpu.memref_slice %arg3[%squeeze3A_381, %dma_start3A_388] : memref<1000000x64xf32, #tpu.memory_space<hbm>> -> memref<1x64xf32, #tpu.memory_space<hbm>>
        %dma_start3A_390 = arith.constant 0 : i32
        %dma_start3A_391 = tpu.memref_slice %arg6[%dma_start3A_384, %add3A_383, %dma_start3A_390] : memref<2x200x64xf32, #tpu.memory_space<vmem>> -> memref<1x1x64xf32, #tpu.memory_space<vmem>>
        %dma_start3A_392 = tpu.memref_squeeze %dma_start3A_391 : memref<1x1x64xf32, #tpu.memory_space<vmem>> -> memref<1x64xf32, #tpu.memory_space<vmem>>
        %dma_start3A_393 = arith.constant 0 : i32
        %dma_start3A_394 = tpu.memref_slice %arg3[%squeeze3A_381, %dma_start3A_393] : memref<1000000x64xf32, #tpu.memory_space<hbm>> -> memref<1x64xf32, #tpu.memory_space<hbm>>
        tpu.enqueue_dma source(%dma_start3A_394 : memref<1x64xf32, #tpu.memory_space<hbm>>) target(%dma_start3A_392 : memref<1x64xf32, #tpu.memory_space<vmem>>) target_semaphore(%arg7 : memref<!tpu.dma_semaphore, #tpu.memory_space<semaphore_mem>>)
        %slice3A_395 = vector.extract_strided_slice %get3A_379 {offsets = [1], sizes = [1], strides = [1]} : vector<16xi32> to vector<1xi32>
        %squeeze3A_396 = vector.extract %slice3A_395[0] : i32 from vector<1xi32>
        %add3A_397 = arith.constant 1 : i32
        %add3A_398 = arith.addi %mul3A_375, %add3A_397 : i32
        %dma_start3A_399 = arith.constant 0 : i32
        %dma_start3A_400 = arith.constant 0 : i32
        %dma_start3A_401 = tpu.memref_slice %arg6[%dma_start3A_399, %add3A_398, %dma_start3A_400] : memref<2x200x64xf32, #tpu.memory_space<vmem>> -> memref<1x1x64xf32, #tpu.memory_space<vmem>>
        %dma_start3A_402 = tpu.memref_squeeze %dma_start3A_401 : memref<1x1x64xf32, #tpu.memory_space<vmem>> -> memref<1x64xf32, #tpu.memory_space<vmem>>
        %dma_start3A_403 = arith.constant 0 : i32
        %dma_start3A_404 = tpu.memref_slice %arg3[%squeeze3A_396, %dma_start3A_403] : memref<1000000x64xf32, #tpu.memory_space<hbm>> -> memref<1x64xf32, #tpu.memory_space<hbm>>
        %dma_start3A_405 = arith.constant 0 : i32
        %dma_start3A_406 = tpu.memref_slice %arg6[%dma_start3A_399, %add3A_398, %dma_start3A_405] : memref<2x200x64xf32, #tpu.memory_space<vmem>> -> memref<1x1x64xf32, #tpu.memory_space<vmem>>
        %dma_start3A_407 = tpu.memref_squeeze %dma_start3A_406 : memref<1x1x64xf32, #tpu.memory_space<vmem>> -> memref<1x64xf32, #tpu.memory_space<vmem>>
        %dma_start3A_408 = arith.constant 0 : i32
        %dma_start3A_409 = tpu.memref_slice %arg3[%squeeze3A_396, %dma_start3A_408] : memref<1000000x64xf32, #tpu.memory_space<hbm>> -> memref<1x64xf32, #tpu.memory_space<hbm>>
        tpu.enqueue_dma source(%dma_start3A_409 : memref<1x64xf32, #tpu.memory_space<hbm>>) target(%dma_start3A_407 : memref<1x64xf32, #tpu.memory_space<vmem>>) target_semaphore(%arg7 : memref<!tpu.dma_semaphore, #tpu.memory_space<semaphore_mem>>)
        %slice3A_410 = vector.extract_strided_slice %get3A_379 {offsets = [2], sizes = [1], strides = [1]} : vector<16xi32> to vector<1xi32>
        %squeeze3A_411 = vector.extract %slice3A_410[0] : i32 from vector<1xi32>
        %add3A_412 = arith.constant 2 : i32
        %add3A_413 = arith.addi %mul3A_375, %add3A_412 : i32
        %dma_start3A_414 = arith.constant 0 : i32
        %dma_start3A_415 = arith.constant 0 : i32
        %dma_start3A_416 = tpu.memref_slice %arg6[%dma_start3A_414, %add3A_413, %dma_start3A_415] : memref<2x200x64xf32, #tpu.memory_space<vmem>> -> memref<1x1x64xf32, #tpu.memory_space<vmem>>
        %dma_start3A_417 = tpu.memref_squeeze %dma_start3A_416 : memref<1x1x64xf32, #tpu.memory_space<vmem>> -> memref<1x64xf32, #tpu.memory_space<vmem>>
        %dma_start3A_418 = arith.constant 0 : i32
        %dma_start3A_419 = tpu.memref_slice %arg3[%squeeze3A_411, %dma_start3A_418] : memref<1000000x64xf32, #tpu.memory_space<hbm>> -> memref<1x64xf32, #tpu.memory_space<hbm>>
        %dma_start3A_420 = arith.constant 0 : i32
        %dma_start3A_421 = tpu.memref_slice %arg6[%dma_start3A_414, %add3A_413, %dma_start3A_420] : memref<2x200x64xf32, #tpu.memory_space<vmem>> -> memref<1x1x64xf32, #tpu.memory_space<vmem>>
        %dma_start3A_422 = tpu.memref_squeeze %dma_start3A_421 : memref<1x1x64xf32, #tpu.memory_space<vmem>> -> memref<1x64xf32, #tpu.memory_space<vmem>>
        %dma_start3A_423 = arith.constant 0 : i32
        %dma_start3A_424 = tpu.memref_slice %arg3[%squeeze3A_411, %dma_start3A_423] : memref<1000000x64xf32, #tpu.memory_space<hbm>> -> memref<1x64xf32, #tpu.memory_space<hbm>>
        tpu.enqueue_dma source(%dma_start3A_424 : memref<1x64xf32, #tpu.memory_space<hbm>>) target(%dma_start3A_422 : memref<1x64xf32, #tpu.memory_space<vmem>>) target_semaphore(%arg7 : memref<!tpu.dma_semaphore, #tpu.memory_space<semaphore_mem>>)
        %slice3A_425 = vector.extract_strided_slice %get3A_379 {offsets = [3], sizes = [1], strides = [1]} : vector<16xi32> to vector<1xi32>
        %squeeze3A_426 = vector.extract %slice3A_425[0] : i32 from vector<1xi32>
        %add3A_427 = arith.constant 3 : i32
        %add3A_428 = arith.addi %mul3A_375, %add3A_427 : i32
        %dma_start3A_429 = arith.constant 0 : i32
        %dma_start3A_430 = arith.constant 0 : i32
        %dma_start3A_431 = tpu.memref_slice %arg6[%dma_start3A_429, %add3A_428, %dma_start3A_430] : memref<2x200x64xf32, #tpu.memory_space<vmem>> -> memref<1x1x64xf32, #tpu.memory_space<vmem>>
        %dma_start3A_432 = tpu.memref_squeeze %dma_start3A_431 : memref<1x1x64xf32, #tpu.memory_space<vmem>> -> memref<1x64xf32, #tpu.memory_space<vmem>>
        %dma_start3A_433 = arith.constant 0 : i32
        %dma_start3A_434 = tpu.memref_slice %arg3[%squeeze3A_426, %dma_start3A_433] : memref<1000000x64xf32, #tpu.memory_space<hbm>> -> memref<1x64xf32, #tpu.memory_space<hbm>>
        %dma_start3A_435 = arith.constant 0 : i32
        %dma_start3A_436 = tpu.memref_slice %arg6[%dma_start3A_429, %add3A_428, %dma_start3A_435] : memref<2x200x64xf32, #tpu.memory_space<vmem>> -> memref<1x1x64xf32, #tpu.memory_space<vmem>>
        %dma_start3A_437 = tpu.memref_squeeze %dma_start3A_436 : memref<1x1x64xf32, #tpu.memory_space<vmem>> -> memref<1x64xf32, #tpu.memory_space<vmem>>
        %dma_start3A_438 = arith.constant 0 : i32
        %dma_start3A_439 = tpu.memref_slice %arg3[%squeeze3A_426, %dma_start3A_438] : memref<1000000x64xf32, #tpu.memory_space<hbm>> -> memref<1x64xf32, #tpu.memory_space<hbm>>
        tpu.enqueue_dma source(%dma_start3A_439 : memref<1x64xf32, #tpu.memory_space<hbm>>) target(%dma_start3A_437 : memref<1x64xf32, #tpu.memory_space<vmem>>) target_semaphore(%arg7 : memref<!tpu.dma_semaphore, #tpu.memory_space<semaphore_mem>>)
        %slice3A_440 = vector.extract_strided_slice %get3A_379 {offsets = [4], sizes = [1], strides = [1]} : vector<16xi32> to vector<1xi32>
        %squeeze3A_441 = vector.extract %slice3A_440[0] : i32 from vector<1xi32>
        %add3A_442 = arith.constant 4 : i32
        %add3A_443 = arith.addi %mul3A_375, %add3A_442 : i32
        %dma_start3A_444 = arith.constant 0 : i32
        %dma_start3A_445 = arith.constant 0 : i32
        %dma_start3A_446 = tpu.memref_slice %arg6[%dma_start3A_444, %add3A_443, %dma_start3A_445] : memref<2x200x64xf32, #tpu.memory_space<vmem>> -> memref<1x1x64xf32, #tpu.memory_space<vmem>>
        %dma_start3A_447 = tpu.memref_squeeze %dma_start3A_446 : memref<1x1x64xf32, #tpu.memory_space<vmem>> -> memref<1x64xf32, #tpu.memory_space<vmem>>
        %dma_start3A_448 = arith.constant 0 : i32
        %dma_start3A_449 = tpu.memref_slice %arg3[%squeeze3A_441, %dma_start3A_448] : memref<1000000x64xf32, #tpu.memory_space<hbm>> -> memref<1x64xf32, #tpu.memory_space<hbm>>
        %dma_start3A_450 = arith.constant 0 : i32
        %dma_start3A_451 = tpu.memref_slice %arg6[%dma_start3A_444, %add3A_443, %dma_start3A_450] : memref<2x200x64xf32, #tpu.memory_space<vmem>> -> memref<1x1x64xf32, #tpu.memory_space<vmem>>
        %dma_start3A_452 = tpu.memref_squeeze %dma_start3A_451 : memref<1x1x64xf32, #tpu.memory_space<vmem>> -> memref<1x64xf32, #tpu.memory_space<vmem>>
        %dma_start3A_453 = arith.constant 0 : i32
        %dma_start3A_454 = tpu.memref_slice %arg3[%squeeze3A_441, %dma_start3A_453] : memref<1000000x64xf32, #tpu.memory_space<hbm>> -> memref<1x64xf32, #tpu.memory_space<hbm>>
        tpu.enqueue_dma source(%dma_start3A_454 : memref<1x64xf32, #tpu.memory_space<hbm>>) target(%dma_start3A_452 : memref<1x64xf32, #tpu.memory_space<vmem>>) target_semaphore(%arg7 : memref<!tpu.dma_semaphore, #tpu.memory_space<semaphore_mem>>)
        %slice3A_455 = vector.extract_strided_slice %get3A_379 {offsets = [5], sizes = [1], strides = [1]} : vector<16xi32> to vector<1xi32>
        %squeeze3A_456 = vector.extract %slice3A_455[0] : i32 from vector<1xi32>
        %add3A_457 = arith.constant 5 : i32
        %add3A_458 = arith.addi %mul3A_375, %add3A_457 : i32
        %dma_start3A_459 = arith.constant 0 : i32
        %dma_start3A_460 = arith.constant 0 : i32
        %dma_start3A_461 = tpu.memref_slice %arg6[%dma_start3A_459, %add3A_458, %dma_start3A_460] : memref<2x200x64xf32, #tpu.memory_space<vmem>> -> memref<1x1x64xf32, #tpu.memory_space<vmem>>
        %dma_start3A_462 = tpu.memref_squeeze %dma_start3A_461 : memref<1x1x64xf32, #tpu.memory_space<vmem>> -> memref<1x64xf32, #tpu.memory_space<vmem>>
        %dma_start3A_463 = arith.constant 0 : i32
        %dma_start3A_464 = tpu.memref_slice %arg3[%squeeze3A_456, %dma_start3A_463] : memref<1000000x64xf32, #tpu.memory_space<hbm>> -> memref<1x64xf32, #tpu.memory_space<hbm>>
        %dma_start3A_465 = arith.constant 0 : i32
        %dma_start3A_466 = tpu.memref_slice %arg6[%dma_start3A_459, %add3A_458, %dma_start3A_465] : memref<2x200x64xf32, #tpu.memory_space<vmem>> -> memref<1x1x64xf32, #tpu.memory_space<vmem>>
        %dma_start3A_467 = tpu.memref_squeeze %dma_start3A_466 : memref<1x1x64xf32, #tpu.memory_space<vmem>> -> memref<1x64xf32, #tpu.memory_space<vmem>>
        %dma_start3A_468 = arith.constant 0 : i32
        %dma_start3A_469 = tpu.memref_slice %arg3[%squeeze3A_456, %dma_start3A_468] : memref<1000000x64xf32, #tpu.memory_space<hbm>> -> memref<1x64xf32, #tpu.memory_space<hbm>>
        tpu.enqueue_dma source(%dma_start3A_469 : memref<1x64xf32, #tpu.memory_space<hbm>>) target(%dma_start3A_467 : memref<1x64xf32, #tpu.memory_space<vmem>>) target_semaphore(%arg7 : memref<!tpu.dma_semaphore, #tpu.memory_space<semaphore_mem>>)
        %slice3A_470 = vector.extract_strided_slice %get3A_379 {offsets = [6], sizes = [1], strides = [1]} : vector<16xi32> to vector<1xi32>
        %squeeze3A_471 = vector.extract %slice3A_470[0] : i32 from vector<1xi32>
        %add3A_472 = arith.constant 6 : i32
        %add3A_473 = arith.addi %mul3A_375, %add3A_472 : i32
        %dma_start3A_474 = arith.constant 0 : i32
        %dma_start3A_475 = arith.constant 0 : i32
        %dma_start3A_476 = tpu.memref_slice %arg6[%dma_start3A_474, %add3A_473, %dma_start3A_475] : memref<2x200x64xf32, #tpu.memory_space<vmem>> -> memref<1x1x64xf32, #tpu.memory_space<vmem>>
        %dma_start3A_477 = tpu.memref_squeeze %dma_start3A_476 : memref<1x1x64xf32, #tpu.memory_space<vmem>> -> memref<1x64xf32, #tpu.memory_space<vmem>>
        %dma_start3A_478 = arith.constant 0 : i32
        %dma_start3A_479 = tpu.memref_slice %arg3[%squeeze3A_471, %dma_start3A_478] : memref<1000000x64xf32, #tpu.memory_space<hbm>> -> memref<1x64xf32, #tpu.memory_space<hbm>>
        %dma_start3A_480 = arith.constant 0 : i32
        %dma_start3A_481 = tpu.memref_slice %arg6[%dma_start3A_474, %add3A_473, %dma_start3A_480] : memref<2x200x64xf32, #tpu.memory_space<vmem>> -> memref<1x1x64xf32, #tpu.memory_space<vmem>>
        %dma_start3A_482 = tpu.memref_squeeze %dma_start3A_481 : memref<1x1x64xf32, #tpu.memory_space<vmem>> -> memref<1x64xf32, #tpu.memory_space<vmem>>
        %dma_start3A_483 = arith.constant 0 : i32
        %dma_start3A_484 = tpu.memref_slice %arg3[%squeeze3A_471, %dma_start3A_483] : memref<1000000x64xf32, #tpu.memory_space<hbm>> -> memref<1x64xf32, #tpu.memory_space<hbm>>
        tpu.enqueue_dma source(%dma_start3A_484 : memref<1x64xf32, #tpu.memory_space<hbm>>) target(%dma_start3A_482 : memref<1x64xf32, #tpu.memory_space<vmem>>) target_semaphore(%arg7 : memref<!tpu.dma_semaphore, #tpu.memory_space<semaphore_mem>>)
        %slice3A_485 = vector.extract_strided_slice %get3A_379 {offsets = [7], sizes = [1], strides = [1]} : vector<16xi32> to vector<1xi32>
        %squeeze3A_486 = vector.extract %slice3A_485[0] : i32 from vector<1xi32>
        %add3A_487 = arith.constant 7 : i32
        %add3A_488 = arith.addi %mul3A_375, %add3A_487 : i32
        %dma_start3A_489 = arith.constant 0 : i32
        %dma_start3A_490 = arith.constant 0 : i32
        %dma_start3A_491 = tpu.memref_slice %arg6[%dma_start3A_489, %add3A_488, %dma_start3A_490] : memref<2x200x64xf32, #tpu.memory_space<vmem>> -> memref<1x1x64xf32, #tpu.memory_space<vmem>>
        %dma_start3A_492 = tpu.memref_squeeze %dma_start3A_491 : memref<1x1x64xf32, #tpu.memory_space<vmem>> -> memref<1x64xf32, #tpu.memory_space<vmem>>
        %dma_start3A_493 = arith.constant 0 : i32
        %dma_start3A_494 = tpu.memref_slice %arg3[%squeeze3A_486, %dma_start3A_493] : memref<1000000x64xf32, #tpu.memory_space<hbm>> -> memref<1x64xf32, #tpu.memory_space<hbm>>
        %dma_start3A_495 = arith.constant 0 : i32
        %dma_start3A_496 = tpu.memref_slice %arg6[%dma_start3A_489, %add3A_488, %dma_start3A_495] : memref<2x200x64xf32, #tpu.memory_space<vmem>> -> memref<1x1x64xf32, #tpu.memory_space<vmem>>
        %dma_start3A_497 = tpu.memref_squeeze %dma_start3A_496 : memref<1x1x64xf32, #tpu.memory_space<vmem>> -> memref<1x64xf32, #tpu.memory_space<vmem>>
        %dma_start3A_498 = arith.constant 0 : i32
        %dma_start3A_499 = tpu.memref_slice %arg3[%squeeze3A_486, %dma_start3A_498] : memref<1000000x64xf32, #tpu.memory_space<hbm>> -> memref<1x64xf32, #tpu.memory_space<hbm>>
        tpu.enqueue_dma source(%dma_start3A_499 : memref<1x64xf32, #tpu.memory_space<hbm>>) target(%dma_start3A_497 : memref<1x64xf32, #tpu.memory_space<vmem>>) target_semaphore(%arg7 : memref<!tpu.dma_semaphore, #tpu.memory_space<semaphore_mem>>)
        %slice3A_500 = vector.extract_strided_slice %get3A_379 {offsets = [8], sizes = [1], strides = [1]} : vector<16xi32> to vector<1xi32>
        %squeeze3A_501 = vector.extract %slice3A_500[0] : i32 from vector<1xi32>
        %add3A_502 = arith.constant 8 : i32
        %add3A_503 = arith.addi %mul3A_375, %add3A_502 : i32
        %dma_start3A_504 = arith.constant 0 : i32
        %dma_start3A_505 = arith.constant 0 : i32
        %dma_start3A_506 = tpu.memref_slice %arg6[%dma_start3A_504, %add3A_503, %dma_start3A_505] : memref<2x200x64xf32, #tpu.memory_space<vmem>> -> memref<1x1x64xf32, #tpu.memory_space<vmem>>
        %dma_start3A_507 = tpu.memref_squeeze %dma_start3A_506 : memref<1x1x64xf32, #tpu.memory_space<vmem>> -> memref<1x64xf32, #tpu.memory_space<vmem>>
        %dma_start3A_508 = arith.constant 0 : i32
        %dma_start3A_509 = tpu.memref_slice %arg3[%squeeze3A_501, %dma_start3A_508] : memref<1000000x64xf32, #tpu.memory_space<hbm>> -> memref<1x64xf32, #tpu.memory_space<hbm>>
        %dma_start3A_510 = arith.constant 0 : i32
        %dma_start3A_511 = tpu.memref_slice %arg6[%dma_start3A_504, %add3A_503, %dma_start3A_510] : memref<2x200x64xf32, #tpu.memory_space<vmem>> -> memref<1x1x64xf32, #tpu.memory_space<vmem>>
        %dma_start3A_512 = tpu.memref_squeeze %dma_start3A_511 : memref<1x1x64xf32, #tpu.memory_space<vmem>> -> memref<1x64xf32, #tpu.memory_space<vmem>>
        %dma_start3A_513 = arith.constant 0 : i32
        %dma_start3A_514 = tpu.memref_slice %arg3[%squeeze3A_501, %dma_start3A_513] : memref<1000000x64xf32, #tpu.memory_space<hbm>> -> memref<1x64xf32, #tpu.memory_space<hbm>>
        tpu.enqueue_dma source(%dma_start3A_514 : memref<1x64xf32, #tpu.memory_space<hbm>>) target(%dma_start3A_512 : memref<1x64xf32, #tpu.memory_space<vmem>>) target_semaphore(%arg7 : memref<!tpu.dma_semaphore, #tpu.memory_space<semaphore_mem>>)
        %slice3A_515 = vector.extract_strided_slice %get3A_379 {offsets = [9], sizes = [1], strides = [1]} : vector<16xi32> to vector<1xi32>
        %squeeze3A_516 = vector.extract %slice3A_515[0] : i32 from vector<1xi32>
        %add3A_517 = arith.constant 9 : i32
        %add3A_518 = arith.addi %mul3A_375, %add3A_517 : i32
        %dma_start3A_519 = arith.constant 0 : i32
        %dma_start3A_520 = arith.constant 0 : i32
        %dma_start3A_521 = tpu.memref_slice %arg6[%dma_start3A_519, %add3A_518, %dma_start3A_520] : memref<2x200x64xf32, #tpu.memory_space<vmem>> -> memref<1x1x64xf32, #tpu.memory_space<vmem>>
        %dma_start3A_522 = tpu.memref_squeeze %dma_start3A_521 : memref<1x1x64xf32, #tpu.memory_space<vmem>> -> memref<1x64xf32, #tpu.memory_space<vmem>>
        %dma_start3A_523 = arith.constant 0 : i32
        %dma_start3A_524 = tpu.memref_slice %arg3[%squeeze3A_516, %dma_start3A_523] : memref<1000000x64xf32, #tpu.memory_space<hbm>> -> memref<1x64xf32, #tpu.memory_space<hbm>>
        %dma_start3A_525 = arith.constant 0 : i32
        %dma_start3A_526 = tpu.memref_slice %arg6[%dma_start3A_519, %add3A_518, %dma_start3A_525] : memref<2x200x64xf32, #tpu.memory_space<vmem>> -> memref<1x1x64xf32, #tpu.memory_space<vmem>>
        %dma_start3A_527 = tpu.memref_squeeze %dma_start3A_526 : memref<1x1x64xf32, #tpu.memory_space<vmem>> -> memref<1x64xf32, #tpu.memory_space<vmem>>
        %dma_start3A_528 = arith.constant 0 : i32
        %dma_start3A_529 = tpu.memref_slice %arg3[%squeeze3A_516, %dma_start3A_528] : memref<1000000x64xf32, #tpu.memory_space<hbm>> -> memref<1x64xf32, #tpu.memory_space<hbm>>
        tpu.enqueue_dma source(%dma_start3A_529 : memref<1x64xf32, #tpu.memory_space<hbm>>) target(%dma_start3A_527 : memref<1x64xf32, #tpu.memory_space<vmem>>) target_semaphore(%arg7 : memref<!tpu.dma_semaphore, #tpu.memory_space<semaphore_mem>>)
        %slice3A_530 = vector.extract_strided_slice %get3A_379 {offsets = [10], sizes = [1], strides = [1]} : vector<16xi32> to vector<1xi32>
        %squeeze3A_531 = vector.extract %slice3A_530[0] : i32 from vector<1xi32>
        %add3A_532 = arith.constant 10 : i32
        %add3A_533 = arith.addi %mul3A_375, %add3A_532 : i32
        %dma_start3A_534 = arith.constant 0 : i32
        %dma_start3A_535 = arith.constant 0 : i32
        %dma_start3A_536 = tpu.memref_slice %arg6[%dma_start3A_534, %add3A_533, %dma_start3A_535] : memref<2x200x64xf32, #tpu.memory_space<vmem>> -> memref<1x1x64xf32, #tpu.memory_space<vmem>>
        %dma_start3A_537 = tpu.memref_squeeze %dma_start3A_536 : memref<1x1x64xf32, #tpu.memory_space<vmem>> -> memref<1x64xf32, #tpu.memory_space<vmem>>
        %dma_start3A_538 = arith.constant 0 : i32
        %dma_start3A_539 = tpu.memref_slice %arg3[%squeeze3A_531, %dma_start3A_538] : memref<1000000x64xf32, #tpu.memory_space<hbm>> -> memref<1x64xf32, #tpu.memory_space<hbm>>
        %dma_start3A_540 = arith.constant 0 : i32
        %dma_start3A_541 = tpu.memref_slice %arg6[%dma_start3A_534, %add3A_533, %dma_start3A_540] : memref<2x200x64xf32, #tpu.memory_space<vmem>> -> memref<1x1x64xf32, #tpu.memory_space<vmem>>
        %dma_start3A_542 = tpu.memref_squeeze %dma_start3A_541 : memref<1x1x64xf32, #tpu.memory_space<vmem>> -> memref<1x64xf32, #tpu.memory_space<vmem>>
        %dma_start3A_543 = arith.constant 0 : i32
        %dma_start3A_544 = tpu.memref_slice %arg3[%squeeze3A_531, %dma_start3A_543] : memref<1000000x64xf32, #tpu.memory_space<hbm>> -> memref<1x64xf32, #tpu.memory_space<hbm>>
        tpu.enqueue_dma source(%dma_start3A_544 : memref<1x64xf32, #tpu.memory_space<hbm>>) target(%dma_start3A_542 : memref<1x64xf32, #tpu.memory_space<vmem>>) target_semaphore(%arg7 : memref<!tpu.dma_semaphore, #tpu.memory_space<semaphore_mem>>)
        %slice3A_545 = vector.extract_strided_slice %get3A_379 {offsets = [11], sizes = [1], strides = [1]} : vector<16xi32> to vector<1xi32>
        %squeeze3A_546 = vector.extract %slice3A_545[0] : i32 from vector<1xi32>
        %add3A_547 = arith.constant 11 : i32
        %add3A_548 = arith.addi %mul3A_375, %add3A_547 : i32
        %dma_start3A_549 = arith.constant 0 : i32
        %dma_start3A_550 = arith.constant 0 : i32
        %dma_start3A_551 = tpu.memref_slice %arg6[%dma_start3A_549, %add3A_548, %dma_start3A_550] : memref<2x200x64xf32, #tpu.memory_space<vmem>> -> memref<1x1x64xf32, #tpu.memory_space<vmem>>
        %dma_start3A_552 = tpu.memref_squeeze %dma_start3A_551 : memref<1x1x64xf32, #tpu.memory_space<vmem>> -> memref<1x64xf32, #tpu.memory_space<vmem>>
        %dma_start3A_553 = arith.constant 0 : i32
        %dma_start3A_554 = tpu.memref_slice %arg3[%squeeze3A_546, %dma_start3A_553] : memref<1000000x64xf32, #tpu.memory_space<hbm>> -> memref<1x64xf32, #tpu.memory_space<hbm>>
        %dma_start3A_555 = arith.constant 0 : i32
        %dma_start3A_556 = tpu.memref_slice %arg6[%dma_start3A_549, %add3A_548, %dma_start3A_555] : memref<2x200x64xf32, #tpu.memory_space<vmem>> -> memref<1x1x64xf32, #tpu.memory_space<vmem>>
        %dma_start3A_557 = tpu.memref_squeeze %dma_start3A_556 : memref<1x1x64xf32, #tpu.memory_space<vmem>> -> memref<1x64xf32, #tpu.memory_space<vmem>>
        %dma_start3A_558 = arith.constant 0 : i32
        %dma_start3A_559 = tpu.memref_slice %arg3[%squeeze3A_546, %dma_start3A_558] : memref<1000000x64xf32, #tpu.memory_space<hbm>> -> memref<1x64xf32, #tpu.memory_space<hbm>>
        tpu.enqueue_dma source(%dma_start3A_559 : memref<1x64xf32, #tpu.memory_space<hbm>>) target(%dma_start3A_557 : memref<1x64xf32, #tpu.memory_space<vmem>>) target_semaphore(%arg7 : memref<!tpu.dma_semaphore, #tpu.memory_space<semaphore_mem>>)
        %slice3A_560 = vector.extract_strided_slice %get3A_379 {offsets = [12], sizes = [1], strides = [1]} : vector<16xi32> to vector<1xi32>
        %squeeze3A_561 = vector.extract %slice3A_560[0] : i32 from vector<1xi32>
        %add3A_562 = arith.constant 12 : i32
        %add3A_563 = arith.addi %mul3A_375, %add3A_562 : i32
        %dma_start3A_564 = arith.constant 0 : i32
        %dma_start3A_565 = arith.constant 0 : i32
        %dma_start3A_566 = tpu.memref_slice %arg6[%dma_start3A_564, %add3A_563, %dma_start3A_565] : memref<2x200x64xf32, #tpu.memory_space<vmem>> -> memref<1x1x64xf32, #tpu.memory_space<vmem>>
        %dma_start3A_567 = tpu.memref_squeeze %dma_start3A_566 : memref<1x1x64xf32, #tpu.memory_space<vmem>> -> memref<1x64xf32, #tpu.memory_space<vmem>>
        %dma_start3A_568 = arith.constant 0 : i32
        %dma_start3A_569 = tpu.memref_slice %arg3[%squeeze3A_561, %dma_start3A_568] : memref<1000000x64xf32, #tpu.memory_space<hbm>> -> memref<1x64xf32, #tpu.memory_space<hbm>>
        %dma_start3A_570 = arith.constant 0 : i32
        %dma_start3A_571 = tpu.memref_slice %arg6[%dma_start3A_564, %add3A_563, %dma_start3A_570] : memref<2x200x64xf32, #tpu.memory_space<vmem>> -> memref<1x1x64xf32, #tpu.memory_space<vmem>>
        %dma_start3A_572 = tpu.memref_squeeze %dma_start3A_571 : memref<1x1x64xf32, #tpu.memory_space<vmem>> -> memref<1x64xf32, #tpu.memory_space<vmem>>
        %dma_start3A_573 = arith.constant 0 : i32
        %dma_start3A_574 = tpu.memref_slice %arg3[%squeeze3A_561, %dma_start3A_573] : memref<1000000x64xf32, #tpu.memory_space<hbm>> -> memref<1x64xf32, #tpu.memory_space<hbm>>
        tpu.enqueue_dma source(%dma_start3A_574 : memref<1x64xf32, #tpu.memory_space<hbm>>) target(%dma_start3A_572 : memref<1x64xf32, #tpu.memory_space<vmem>>) target_semaphore(%arg7 : memref<!tpu.dma_semaphore, #tpu.memory_space<semaphore_mem>>)
        %slice3A_575 = vector.extract_strided_slice %get3A_379 {offsets = [13], sizes = [1], strides = [1]} : vector<16xi32> to vector<1xi32>
        %squeeze3A_576 = vector.extract %slice3A_575[0] : i32 from vector<1xi32>
        %add3A_577 = arith.constant 13 : i32
        %add3A_578 = arith.addi %mul3A_375, %add3A_577 : i32
        %dma_start3A_579 = arith.constant 0 : i32
        %dma_start3A_580 = arith.constant 0 : i32
        %dma_start3A_581 = tpu.memref_slice %arg6[%dma_start3A_579, %add3A_578, %dma_start3A_580] : memref<2x200x64xf32, #tpu.memory_space<vmem>> -> memref<1x1x64xf32, #tpu.memory_space<vmem>>
        %dma_start3A_582 = tpu.memref_squeeze %dma_start3A_581 : memref<1x1x64xf32, #tpu.memory_space<vmem>> -> memref<1x64xf32, #tpu.memory_space<vmem>>
        %dma_start3A_583 = arith.constant 0 : i32
        %dma_start3A_584 = tpu.memref_slice %arg3[%squeeze3A_576, %dma_start3A_583] : memref<1000000x64xf32, #tpu.memory_space<hbm>> -> memref<1x64xf32, #tpu.memory_space<hbm>>
        %dma_start3A_585 = arith.constant 0 : i32
        %dma_start3A_586 = tpu.memref_slice %arg6[%dma_start3A_579, %add3A_578, %dma_start3A_585] : memref<2x200x64xf32, #tpu.memory_space<vmem>> -> memref<1x1x64xf32, #tpu.memory_space<vmem>>
        %dma_start3A_587 = tpu.memref_squeeze %dma_start3A_586 : memref<1x1x64xf32, #tpu.memory_space<vmem>> -> memref<1x64xf32, #tpu.memory_space<vmem>>
        %dma_start3A_588 = arith.constant 0 : i32
        %dma_start3A_589 = tpu.memref_slice %arg3[%squeeze3A_576, %dma_start3A_588] : memref<1000000x64xf32, #tpu.memory_space<hbm>> -> memref<1x64xf32, #tpu.memory_space<hbm>>
        tpu.enqueue_dma source(%dma_start3A_589 : memref<1x64xf32, #tpu.memory_space<hbm>>) target(%dma_start3A_587 : memref<1x64xf32, #tpu.memory_space<vmem>>) target_semaphore(%arg7 : memref<!tpu.dma_semaphore, #tpu.memory_space<semaphore_mem>>)
        %slice3A_590 = vector.extract_strided_slice %get3A_379 {offsets = [14], sizes = [1], strides = [1]} : vector<16xi32> to vector<1xi32>
        %squeeze3A_591 = vector.extract %slice3A_590[0] : i32 from vector<1xi32>
        %add3A_592 = arith.constant 14 : i32
        %add3A_593 = arith.addi %mul3A_375, %add3A_592 : i32
        %dma_start3A_594 = arith.constant 0 : i32
        %dma_start3A_595 = arith.constant 0 : i32
        %dma_start3A_596 = tpu.memref_slice %arg6[%dma_start3A_594, %add3A_593, %dma_start3A_595] : memref<2x200x64xf32, #tpu.memory_space<vmem>> -> memref<1x1x64xf32, #tpu.memory_space<vmem>>
        %dma_start3A_597 = tpu.memref_squeeze %dma_start3A_596 : memref<1x1x64xf32, #tpu.memory_space<vmem>> -> memref<1x64xf32, #tpu.memory_space<vmem>>
        %dma_start3A_598 = arith.constant 0 : i32
        %dma_start3A_599 = tpu.memref_slice %arg3[%squeeze3A_591, %dma_start3A_598] : memref<1000000x64xf32, #tpu.memory_space<hbm>> -> memref<1x64xf32, #tpu.memory_space<hbm>>
        %dma_start3A_600 = arith.constant 0 : i32
        %dma_start3A_601 = tpu.memref_slice %arg6[%dma_start3A_594, %add3A_593, %dma_start3A_600] : memref<2x200x64xf32, #tpu.memory_space<vmem>> -> memref<1x1x64xf32, #tpu.memory_space<vmem>>
        %dma_start3A_602 = tpu.memref_squeeze %dma_start3A_601 : memref<1x1x64xf32, #tpu.memory_space<vmem>> -> memref<1x64xf32, #tpu.memory_space<vmem>>
        %dma_start3A_603 = arith.constant 0 : i32
        %dma_start3A_604 = tpu.memref_slice %arg3[%squeeze3A_591, %dma_start3A_603] : memref<1000000x64xf32, #tpu.memory_space<hbm>> -> memref<1x64xf32, #tpu.memory_space<hbm>>
        tpu.enqueue_dma source(%dma_start3A_604 : memref<1x64xf32, #tpu.memory_space<hbm>>) target(%dma_start3A_602 : memref<1x64xf32, #tpu.memory_space<vmem>>) target_semaphore(%arg7 : memref<!tpu.dma_semaphore, #tpu.memory_space<semaphore_mem>>)
        %slice3A_605 = vector.extract_strided_slice %get3A_379 {offsets = [15], sizes = [1], strides = [1]} : vector<16xi32> to vector<1xi32>
        %squeeze3A_606 = vector.extract %slice3A_605[0] : i32 from vector<1xi32>
        %add3A_607 = arith.constant 15 : i32
        %add3A_608 = arith.addi %mul3A_375, %add3A_607 : i32
        %dma_start3A_609 = arith.constant 0 : i32
        %dma_start3A_610 = arith.constant 0 : i32
        %dma_start3A_611 = tpu.memref_slice %arg6[%dma_start3A_609, %add3A_608, %dma_start3A_610] : memref<2x200x64xf32, #tpu.memory_space<vmem>> -> memref<1x1x64xf32, #tpu.memory_space<vmem>>
        %dma_start3A_612 = tpu.memref_squeeze %dma_start3A_611 : memref<1x1x64xf32, #tpu.memory_space<vmem>> -> memref<1x64xf32, #tpu.memory_space<vmem>>
        %dma_start3A_613 = arith.constant 0 : i32
        %dma_start3A_614 = tpu.memref_slice %arg3[%squeeze3A_606, %dma_start3A_613] : memref<1000000x64xf32, #tpu.memory_space<hbm>> -> memref<1x64xf32, #tpu.memory_space<hbm>>
        %dma_start3A_615 = arith.constant 0 : i32
        %dma_start3A_616 = tpu.memref_slice %arg6[%dma_start3A_609, %add3A_608, %dma_start3A_615] : memref<2x200x64xf32, #tpu.memory_space<vmem>> -> memref<1x1x64xf32, #tpu.memory_space<vmem>>
        %dma_start3A_617 = tpu.memref_squeeze %dma_start3A_616 : memref<1x1x64xf32, #tpu.memory_space<vmem>> -> memref<1x64xf32, #tpu.memory_space<vmem>>
        %dma_start3A_618 = arith.constant 0 : i32
        %dma_start3A_619 = tpu.memref_slice %arg3[%squeeze3A_606, %dma_start3A_618] : memref<1000000x64xf32, #tpu.memory_space<hbm>> -> memref<1x64xf32, #tpu.memory_space<hbm>>
        tpu.enqueue_dma source(%dma_start3A_619 : memref<1x64xf32, #tpu.memory_space<hbm>>) target(%dma_start3A_617 : memref<1x64xf32, #tpu.memory_space<vmem>>) target_semaphore(%arg7 : memref<!tpu.dma_semaphore, #tpu.memory_space<semaphore_mem>>)
      }
      %scan3A_47 = arith.constant 12 : i32
      %get3A = arith.index_cast %mul3A_39 : i32 to index
      %get3A_48 = arith.constant 184 : index
      %get3A_49 = tpu.vector_load %arg5[%get3A, %get3A_48] {strides = array<i32>} : memref<128x200xi32, #tpu.memory_space<vmem>>, vector<1x16xi32>,
      %get3A_50 = vector.shape_cast %get3A_49 : vector<1x16xi32> to vector<16xi32>
      %slice3A = vector.extract_strided_slice %get3A_50 {offsets = [8], sizes = [1], strides = [1]} : vector<16xi32> to vector<1xi32>
      %squeeze3A = vector.extract %slice3A[0] : i32 from vector<1xi32>
      %dma_start3A = arith.constant 0 : i32
      %dma_start3A_51 = arith.constant 192 : i32
      %dma_start3A_52 = arith.constant 0 : i32
      %dma_start3A_53 = tpu.memref_slice %arg6[%dma_start3A, %dma_start3A_51, %dma_start3A_52] : memref<2x200x64xf32, #tpu.memory_space<vmem>> -> memref<1x1x64xf32, #tpu.memory_space<vmem>>
      %dma_start3A_54 = tpu.memref_squeeze %dma_start3A_53 : memref<1x1x64xf32, #tpu.memory_space<vmem>> -> memref<1x64xf32, #tpu.memory_space<vmem>>
      %dma_start3A_55 = arith.constant 0 : i32
      %dma_start3A_56 = tpu.memref_slice %arg3[%squeeze3A, %dma_start3A_55] : memref<1000000x64xf32, #tpu.memory_space<hbm>> -> memref<1x64xf32, #tpu.memory_space<hbm>>
      %dma_start3A_57 = arith.constant 192 : i32
      %dma_start3A_58 = arith.constant 0 : i32
      %dma_start3A_59 = tpu.memref_slice %arg6[%dma_start3A, %dma_start3A_57, %dma_start3A_58] : memref<2x200x64xf32, #tpu.memory_space<vmem>> -> memref<1x1x64xf32, #tpu.memory_space<vmem>>
      %dma_start3A_60 = tpu.memref_squeeze %dma_start3A_59 : memref<1x1x64xf32, #tpu.memory_space<vmem>> -> memref<1x64xf32, #tpu.memory_space<vmem>>
      %dma_start3A_61 = arith.constant 0 : i32
      %dma_start3A_62 = tpu.memref_slice %arg3[%squeeze3A, %dma_start3A_61] : memref<1000000x64xf32, #tpu.memory_space<hbm>> -> memref<1x64xf32, #tpu.memory_space<hbm>>
      tpu.enqueue_dma source(%dma_start3A_62 : memref<1x64xf32, #tpu.memory_space<hbm>>) target(%dma_start3A_60 : memref<1x64xf32, #tpu.memory_space<vmem>>) target_semaphore(%arg7 : memref<!tpu.dma_semaphore, #tpu.memory_space<semaphore_mem>>)
      %slice3A_63 = vector.extract_strided_slice %get3A_50 {offsets = [9], sizes = [1], strides = [1]} : vector<16xi32> to vector<1xi32>
      %squeeze3A_64 = vector.extract %slice3A_63[0] : i32 from vector<1xi32>
      %dma_start3A_65 = arith.constant 0 : i32
      %dma_start3A_66 = arith.constant 193 : i32
      %dma_start3A_67 = arith.constant 0 : i32
      %dma_start3A_68 = tpu.memref_slice %arg6[%dma_start3A_65, %dma_start3A_66, %dma_start3A_67] : memref<2x200x64xf32, #tpu.memory_space<vmem>> -> memref<1x1x64xf32, #tpu.memory_space<vmem>>
      %dma_start3A_69 = tpu.memref_squeeze %dma_start3A_68 : memref<1x1x64xf32, #tpu.memory_space<vmem>> -> memref<1x64xf32, #tpu.memory_space<vmem>>
      %dma_start3A_70 = arith.constant 0 : i32
      %dma_start3A_71 = tpu.memref_slice %arg3[%squeeze3A_64, %dma_start3A_70] : memref<1000000x64xf32, #tpu.memory_space<hbm>> -> memref<1x64xf32, #tpu.memory_space<hbm>>
      %dma_start3A_72 = arith.constant 193 : i32
      %dma_start3A_73 = arith.constant 0 : i32
      %dma_start3A_74 = tpu.memref_slice %arg6[%dma_start3A_65, %dma_start3A_72, %dma_start3A_73] : memref<2x200x64xf32, #tpu.memory_space<vmem>> -> memref<1x1x64xf32, #tpu.memory_space<vmem>>
      %dma_start3A_75 = tpu.memref_squeeze %dma_start3A_74 : memref<1x1x64xf32, #tpu.memory_space<vmem>> -> memref<1x64xf32, #tpu.memory_space<vmem>>
      %dma_start3A_76 = arith.constant 0 : i32
      %dma_start3A_77 = tpu.memref_slice %arg3[%squeeze3A_64, %dma_start3A_76] : memref<1000000x64xf32, #tpu.memory_space<hbm>> -> memref<1x64xf32, #tpu.memory_space<hbm>>
      tpu.enqueue_dma source(%dma_start3A_77 : memref<1x64xf32, #tpu.memory_space<hbm>>) target(%dma_start3A_75 : memref<1x64xf32, #tpu.memory_space<vmem>>) target_semaphore(%arg7 : memref<!tpu.dma_semaphore, #tpu.memory_space<semaphore_mem>>)
      %slice3A_78 = vector.extract_strided_slice %get3A_50 {offsets = [10], sizes = [1], strides = [1]} : vector<16xi32> to vector<1xi32>
      %squeeze3A_79 = vector.extract %slice3A_78[0] : i32 from vector<1xi32>
      %dma_start3A_80 = arith.constant 0 : i32
      %dma_start3A_81 = arith.constant 194 : i32
      %dma_start3A_82 = arith.constant 0 : i32
      %dma_start3A_83 = tpu.memref_slice %arg6[%dma_start3A_80, %dma_start3A_81, %dma_start3A_82] : memref<2x200x64xf32, #tpu.memory_space<vmem>> -> memref<1x1x64xf32, #tpu.memory_space<vmem>>
      %dma_start3A_84 = tpu.memref_squeeze %dma_start3A_83 : memref<1x1x64xf32, #tpu.memory_space<vmem>> -> memref<1x64xf32, #tpu.memory_space<vmem>>
      %dma_start3A_85 = arith.constant 0 : i32
      %dma_start3A_86 = tpu.memref_slice %arg3[%squeeze3A_79, %dma_start3A_85] : memref<1000000x64xf32, #tpu.memory_space<hbm>> -> memref<1x64xf32, #tpu.memory_space<hbm>>
      %dma_start3A_87 = arith.constant 194 : i32
      %dma_start3A_88 = arith.constant 0 : i32
      %dma_start3A_89 = tpu.memref_slice %arg6[%dma_start3A_80, %dma_start3A_87, %dma_start3A_88] : memref<2x200x64xf32, #tpu.memory_space<vmem>> -> memref<1x1x64xf32, #tpu.memory_space<vmem>>
      %dma_start3A_90 = tpu.memref_squeeze %dma_start3A_89 : memref<1x1x64xf32, #tpu.memory_space<vmem>> -> memref<1x64xf32, #tpu.memory_space<vmem>>
      %dma_start3A_91 = arith.constant 0 : i32
      %dma_start3A_92 = tpu.memref_slice %arg3[%squeeze3A_79, %dma_start3A_91] : memref<1000000x64xf32, #tpu.memory_space<hbm>> -> memref<1x64xf32, #tpu.memory_space<hbm>>
      tpu.enqueue_dma source(%dma_start3A_92 : memref<1x64xf32, #tpu.memory_space<hbm>>) target(%dma_start3A_90 : memref<1x64xf32, #tpu.memory_space<vmem>>) target_semaphore(%arg7 : memref<!tpu.dma_semaphore, #tpu.memory_space<semaphore_mem>>)
      %slice3A_93 = vector.extract_strided_slice %get3A_50 {offsets = [11], sizes = [1], strides = [1]} : vector<16xi32> to vector<1xi32>
      %squeeze3A_94 = vector.extract %slice3A_93[0] : i32 from vector<1xi32>
      %dma_start3A_95 = arith.constant 0 : i32
      %dma_start3A_96 = arith.constant 195 : i32
      %dma_start3A_97 = arith.constant 0 : i32
      %dma_start3A_98 = tpu.memref_slice %arg6[%dma_start3A_95, %dma_start3A_96, %dma_start3A_97] : memref<2x200x64xf32, #tpu.memory_space<vmem>> -> memref<1x1x64xf32, #tpu.memory_space<vmem>>
      %dma_start3A_99 = tpu.memref_squeeze %dma_start3A_98 : memref<1x1x64xf32, #tpu.memory_space<vmem>> -> memref<1x64xf32, #tpu.memory_space<vmem>>
      %dma_start3A_100 = arith.constant 0 : i32
      %dma_start3A_101 = tpu.memref_slice %arg3[%squeeze3A_94, %dma_start3A_100] : memref<1000000x64xf32, #tpu.memory_space<hbm>> -> memref<1x64xf32, #tpu.memory_space<hbm>>
      %dma_start3A_102 = arith.constant 195 : i32
      %dma_start3A_103 = arith.constant 0 : i32
      %dma_start3A_104 = tpu.memref_slice %arg6[%dma_start3A_95, %dma_start3A_102, %dma_start3A_103] : memref<2x200x64xf32, #tpu.memory_space<vmem>> -> memref<1x1x64xf32, #tpu.memory_space<vmem>>
      %dma_start3A_105 = tpu.memref_squeeze %dma_start3A_104 : memref<1x1x64xf32, #tpu.memory_space<vmem>> -> memref<1x64xf32, #tpu.memory_space<vmem>>
      %dma_start3A_106 = arith.constant 0 : i32
      %dma_start3A_107 = tpu.memref_slice %arg3[%squeeze3A_94, %dma_start3A_106] : memref<1000000x64xf32, #tpu.memory_space<hbm>> -> memref<1x64xf32, #tpu.memory_space<hbm>>
      tpu.enqueue_dma source(%dma_start3A_107 : memref<1x64xf32, #tpu.memory_space<hbm>>) target(%dma_start3A_105 : memref<1x64xf32, #tpu.memory_space<vmem>>) target_semaphore(%arg7 : memref<!tpu.dma_semaphore, #tpu.memory_space<semaphore_mem>>)
      %slice3A_108 = vector.extract_strided_slice %get3A_50 {offsets = [12], sizes = [1], strides = [1]} : vector<16xi32> to vector<1xi32>
      %squeeze3A_109 = vector.extract %slice3A_108[0] : i32 from vector<1xi32>
      %dma_start3A_110 = arith.constant 0 : i32
      %dma_start3A_111 = arith.constant 196 : i32
      %dma_start3A_112 = arith.constant 0 : i32
      %dma_start3A_113 = tpu.memref_slice %arg6[%dma_start3A_110, %dma_start3A_111, %dma_start3A_112] : memref<2x200x64xf32, #tpu.memory_space<vmem>> -> memref<1x1x64xf32, #tpu.memory_space<vmem>>
      %dma_start3A_114 = tpu.memref_squeeze %dma_start3A_113 : memref<1x1x64xf32, #tpu.memory_space<vmem>> -> memref<1x64xf32, #tpu.memory_space<vmem>>
      %dma_start3A_115 = arith.constant 0 : i32
      %dma_start3A_116 = tpu.memref_slice %arg3[%squeeze3A_109, %dma_start3A_115] : memref<1000000x64xf32, #tpu.memory_space<hbm>> -> memref<1x64xf32, #tpu.memory_space<hbm>>
      %dma_start3A_117 = arith.constant 196 : i32
      %dma_start3A_118 = arith.constant 0 : i32
      %dma_start3A_119 = tpu.memref_slice %arg6[%dma_start3A_110, %dma_start3A_117, %dma_start3A_118] : memref<2x200x64xf32, #tpu.memory_space<vmem>> -> memref<1x1x64xf32, #tpu.memory_space<vmem>>
      %dma_start3A_120 = tpu.memref_squeeze %dma_start3A_119 : memref<1x1x64xf32, #tpu.memory_space<vmem>> -> memref<1x64xf32, #tpu.memory_space<vmem>>
      %dma_start3A_121 = arith.constant 0 : i32
      %dma_start3A_122 = tpu.memref_slice %arg3[%squeeze3A_109, %dma_start3A_121] : memref<1000000x64xf32, #tpu.memory_space<hbm>> -> memref<1x64xf32, #tpu.memory_space<hbm>>
      tpu.enqueue_dma source(%dma_start3A_122 : memref<1x64xf32, #tpu.memory_space<hbm>>) target(%dma_start3A_120 : memref<1x64xf32, #tpu.memory_space<vmem>>) target_semaphore(%arg7 : memref<!tpu.dma_semaphore, #tpu.memory_space<semaphore_mem>>)
      %slice3A_123 = vector.extract_strided_slice %get3A_50 {offsets = [13], sizes = [1], strides = [1]} : vector<16xi32> to vector<1xi32>
      %squeeze3A_124 = vector.extract %slice3A_123[0] : i32 from vector<1xi32>
      %dma_start3A_125 = arith.constant 0 : i32
      %dma_start3A_126 = arith.constant 197 : i32
      %dma_start3A_127 = arith.constant 0 : i32
      %dma_start3A_128 = tpu.memref_slice %arg6[%dma_start3A_125, %dma_start3A_126, %dma_start3A_127] : memref<2x200x64xf32, #tpu.memory_space<vmem>> -> memref<1x1x64xf32, #tpu.memory_space<vmem>>
      %dma_start3A_129 = tpu.memref_squeeze %dma_start3A_128 : memref<1x1x64xf32, #tpu.memory_space<vmem>> -> memref<1x64xf32, #tpu.memory_space<vmem>>
      %dma_start3A_130 = arith.constant 0 : i32
      %dma_start3A_131 = tpu.memref_slice %arg3[%squeeze3A_124, %dma_start3A_130] : memref<1000000x64xf32, #tpu.memory_space<hbm>> -> memref<1x64xf32, #tpu.memory_space<hbm>>
      %dma_start3A_132 = arith.constant 197 : i32
      %dma_start3A_133 = arith.constant 0 : i32
      %dma_start3A_134 = tpu.memref_slice %arg6[%dma_start3A_125, %dma_start3A_132, %dma_start3A_133] : memref<2x200x64xf32, #tpu.memory_space<vmem>> -> memref<1x1x64xf32, #tpu.memory_space<vmem>>
      %dma_start3A_135 = tpu.memref_squeeze %dma_start3A_134 : memref<1x1x64xf32, #tpu.memory_space<vmem>> -> memref<1x64xf32, #tpu.memory_space<vmem>>
      %dma_start3A_136 = arith.constant 0 : i32
      %dma_start3A_137 = tpu.memref_slice %arg3[%squeeze3A_124, %dma_start3A_136] : memref<1000000x64xf32, #tpu.memory_space<hbm>> -> memref<1x64xf32, #tpu.memory_space<hbm>>
      tpu.enqueue_dma source(%dma_start3A_137 : memref<1x64xf32, #tpu.memory_space<hbm>>) target(%dma_start3A_135 : memref<1x64xf32, #tpu.memory_space<vmem>>) target_semaphore(%arg7 : memref<!tpu.dma_semaphore, #tpu.memory_space<semaphore_mem>>)
      %slice3A_138 = vector.extract_strided_slice %get3A_50 {offsets = [14], sizes = [1], strides = [1]} : vector<16xi32> to vector<1xi32>
      %squeeze3A_139 = vector.extract %slice3A_138[0] : i32 from vector<1xi32>
      %dma_start3A_140 = arith.constant 0 : i32
      %dma_start3A_141 = arith.constant 198 : i32
      %dma_start3A_142 = arith.constant 0 : i32
      %dma_start3A_143 = tpu.memref_slice %arg6[%dma_start3A_140, %dma_start3A_141, %dma_start3A_142] : memref<2x200x64xf32, #tpu.memory_space<vmem>> -> memref<1x1x64xf32, #tpu.memory_space<vmem>>
      %dma_start3A_144 = tpu.memref_squeeze %dma_start3A_143 : memref<1x1x64xf32, #tpu.memory_space<vmem>> -> memref<1x64xf32, #tpu.memory_space<vmem>>
      %dma_start3A_145 = arith.constant 0 : i32
      %dma_start3A_146 = tpu.memref_slice %arg3[%squeeze3A_139, %dma_start3A_145] : memref<1000000x64xf32, #tpu.memory_space<hbm>> -> memref<1x64xf32, #tpu.memory_space<hbm>>
      %dma_start3A_147 = arith.constant 198 : i32
      %dma_start3A_148 = arith.constant 0 : i32
      %dma_start3A_149 = tpu.memref_slice %arg6[%dma_start3A_140, %dma_start3A_147, %dma_start3A_148] : memref<2x200x64xf32, #tpu.memory_space<vmem>> -> memref<1x1x64xf32, #tpu.memory_space<vmem>>
      %dma_start3A_150 = tpu.memref_squeeze %dma_start3A_149 : memref<1x1x64xf32, #tpu.memory_space<vmem>> -> memref<1x64xf32, #tpu.memory_space<vmem>>
      %dma_start3A_151 = arith.constant 0 : i32
      %dma_start3A_152 = tpu.memref_slice %arg3[%squeeze3A_139, %dma_start3A_151] : memref<1000000x64xf32, #tpu.memory_space<hbm>> -> memref<1x64xf32, #tpu.memory_space<hbm>>
      tpu.enqueue_dma source(%dma_start3A_152 : memref<1x64xf32, #tpu.memory_space<hbm>>) target(%dma_start3A_150 : memref<1x64xf32, #tpu.memory_space<vmem>>) target_semaphore(%arg7 : memref<!tpu.dma_semaphore, #tpu.memory_space<semaphore_mem>>)
      %slice3A_153 = vector.extract_strided_slice %get3A_50 {offsets = [15], sizes = [1], strides = [1]} : vector<16xi32> to vector<1xi32>
      %squeeze3A_154 = vector.extract %slice3A_153[0] : i32 from vector<1xi32>
      %dma_start3A_155 = arith.constant 0 : i32
      %dma_start3A_156 = arith.constant 199 : i32
      %dma_start3A_157 = arith.constant 0 : i32
      %dma_start3A_158 = tpu.memref_slice %arg6[%dma_start3A_155, %dma_start3A_156, %dma_start3A_157] : memref<2x200x64xf32, #tpu.memory_space<vmem>> -> memref<1x1x64xf32, #tpu.memory_space<vmem>>
      %dma_start3A_159 = tpu.memref_squeeze %dma_start3A_158 : memref<1x1x64xf32, #tpu.memory_space<vmem>> -> memref<1x64xf32, #tpu.memory_space<vmem>>
      %dma_start3A_160 = arith.constant 0 : i32
      %dma_start3A_161 = tpu.memref_slice %arg3[%squeeze3A_154, %dma_start3A_160] : memref<1000000x64xf32, #tpu.memory_space<hbm>> -> memref<1x64xf32, #tpu.memory_space<hbm>>
      %dma_start3A_162 = arith.constant 199 : i32
      %dma_start3A_163 = arith.constant 0 : i32
      %dma_start3A_164 = tpu.memref_slice %arg6[%dma_start3A_155, %dma_start3A_162, %dma_start3A_163] : memref<2x200x64xf32, #tpu.memory_space<vmem>> -> memref<1x1x64xf32, #tpu.memory_space<vmem>>
      %dma_start3A_165 = tpu.memref_squeeze %dma_start3A_164 : memref<1x1x64xf32, #tpu.memory_space<vmem>> -> memref<1x64xf32, #tpu.memory_space<vmem>>
      %dma_start3A_166 = arith.constant 0 : i32
      %dma_start3A_167 = tpu.memref_slice %arg3[%squeeze3A_154, %dma_start3A_166] : memref<1000000x64xf32, #tpu.memory_space<hbm>> -> memref<1x64xf32, #tpu.memory_space<hbm>>
      tpu.enqueue_dma source(%dma_start3A_167 : memref<1x64xf32, #tpu.memory_space<hbm>>) target(%dma_start3A_165 : memref<1x64xf32, #tpu.memory_space<vmem>>) target_semaphore(%arg7 : memref<!tpu.dma_semaphore, #tpu.memory_space<semaphore_mem>>)
      %gt3A_168 = arith.constant 0 : i32
      %gt3A_169 = arith.cmpi sgt, %scan3A_37, %gt3A_168 : i32
      %convert_element_type3A_170 = arith.extui %gt3A_169 : i1 to i32
      %cond3A_171 = arith.constant 0 : i32
      %cond3A_172 = arith.cmpi ne, %convert_element_type3A_170, %cond3A_171 : i32
      scf.if %cond3A_172 {
        %dma_wait3A_373 = arith.constant 0 : i32
        %dma_wait3A_374 = arith.constant 0 : i32
        %dma_wait3A_375 = arith.constant 0 : i32
        %dma_wait3A_376 = tpu.memref_slice %arg6[%dma_wait3A_373, %dma_wait3A_374, %dma_wait3A_375] : memref<2x200x64xf32, #tpu.memory_space<vmem>> -> memref<1x200x64xf32, #tpu.memory_space<vmem>>
        %dma_wait3A_377 = tpu.memref_squeeze %dma_wait3A_376 : memref<1x200x64xf32, #tpu.memory_space<vmem>> -> memref<200x64xf32, #tpu.memory_space<vmem>>
        %dma_wait3A_378 = arith.constant 0 : i32
        %dma_wait3A_379 = arith.constant 0 : i32
        %dma_wait3A_380 = tpu.memref_slice %arg3[%dma_wait3A_378, %dma_wait3A_379] : memref<1000000x64xf32, #tpu.memory_space<hbm>> -> memref<200x64xf32, #tpu.memory_space<hbm>>
        %dma_wait3A_381 = arith.constant 0 : i32
        %dma_wait3A_382 = arith.constant 0 : i32
        %dma_wait3A_383 = tpu.memref_slice %arg6[%dma_wait3A_373, %dma_wait3A_381, %dma_wait3A_382] : memref<2x200x64xf32, #tpu.memory_space<vmem>> -> memref<1x200x64xf32, #tpu.memory_space<vmem>>
        %dma_wait3A_384 = tpu.memref_squeeze %dma_wait3A_383 : memref<1x200x64xf32, #tpu.memory_space<vmem>> -> memref<200x64xf32, #tpu.memory_space<vmem>>
        %dma_wait3A_385 = arith.constant 0 : i32
        %dma_wait3A_386 = arith.constant 0 : i32
        %dma_wait3A_387 = tpu.memref_slice %arg3[%dma_wait3A_385, %dma_wait3A_386] : memref<1000000x64xf32, #tpu.memory_space<hbm>> -> memref<200x64xf32, #tpu.memory_space<hbm>>
        tpu.wait_dma2 semaphore(%arg10 : memref<!tpu.dma_semaphore, #tpu.memory_space<semaphore_mem>>) src(%dma_wait3A_387 : memref<200x64xf32, #tpu.memory_space<hbm>>) dst(%dma_wait3A_384 : memref<200x64xf32, #tpu.memory_space<vmem>>)
      } else {
      }
      %add3A_173 = arith.constant 1 : i32
      %add3A_174 = arith.addi %mul3A_39, %add3A_173 : i32
      %scan3A_175 = arith.constant 0 : i32
      %scan3A_176 = arith.constant 0 : i32
      %scan3A_177 = arith.constant 12 : i32
      %scan3A_178 = arith.addi %scan3A_176, %scan3A_177 : i32
      %scan3A_179 = arith.constant 1 : i32
      scf.for %scan3A_373 = %scan3A_176 to %scan3A_178 step %scan3A_179  : i32 {
        %mul3A_374 = arith.constant 16 : i32
        %mul3A_375 = arith.muli %scan3A_373, %mul3A_374 : i32
        %get3A_376 = arith.index_cast %add3A_174 : i32 to index
        %get3A_377 = arith.index_cast %mul3A_375 : i32 to index
        %get3A_378 = tpu.vector_load %arg5[%get3A_376, %get3A_377] {strides = array<i32>} : memref<128x200xi32, #tpu.memory_space<vmem>>, vector<1x16xi32>,
        %get3A_379 = vector.shape_cast %get3A_378 : vector<1x16xi32> to vector<16xi32>
        %slice3A_380 = vector.extract_strided_slice %get3A_379 {offsets = [0], sizes = [1], strides = [1]} : vector<16xi32> to vector<1xi32>
        %squeeze3A_381 = vector.extract %slice3A_380[0] : i32 from vector<1xi32>
        %add3A_382 = arith.constant 0 : i32
        %add3A_383 = arith.addi %mul3A_375, %add3A_382 : i32
        %dma_start3A_384 = arith.constant 1 : i32
        %dma_start3A_385 = arith.constant 0 : i32
        %dma_start3A_386 = tpu.memref_slice %arg6[%dma_start3A_384, %add3A_383, %dma_start3A_385] : memref<2x200x64xf32, #tpu.memory_space<vmem>> -> memref<1x1x64xf32, #tpu.memory_space<vmem>>
        %dma_start3A_387 = tpu.memref_squeeze %dma_start3A_386 : memref<1x1x64xf32, #tpu.memory_space<vmem>> -> memref<1x64xf32, #tpu.memory_space<vmem>>
        %dma_start3A_388 = arith.constant 0 : i32
        %dma_start3A_389 = tpu.memref_slice %arg3[%squeeze3A_381, %dma_start3A_388] : memref<1000000x64xf32, #tpu.memory_space<hbm>> -> memref<1x64xf32, #tpu.memory_space<hbm>>
        %dma_start3A_390 = arith.constant 0 : i32
        %dma_start3A_391 = tpu.memref_slice %arg6[%dma_start3A_384, %add3A_383, %dma_start3A_390] : memref<2x200x64xf32, #tpu.memory_space<vmem>> -> memref<1x1x64xf32, #tpu.memory_space<vmem>>
        %dma_start3A_392 = tpu.memref_squeeze %dma_start3A_391 : memref<1x1x64xf32, #tpu.memory_space<vmem>> -> memref<1x64xf32, #tpu.memory_space<vmem>>
        %dma_start3A_393 = arith.constant 0 : i32
        %dma_start3A_394 = tpu.memref_slice %arg3[%squeeze3A_381, %dma_start3A_393] : memref<1000000x64xf32, #tpu.memory_space<hbm>> -> memref<1x64xf32, #tpu.memory_space<hbm>>
        tpu.enqueue_dma source(%dma_start3A_394 : memref<1x64xf32, #tpu.memory_space<hbm>>) target(%dma_start3A_392 : memref<1x64xf32, #tpu.memory_space<vmem>>) target_semaphore(%arg8 : memref<!tpu.dma_semaphore, #tpu.memory_space<semaphore_mem>>)
        %slice3A_395 = vector.extract_strided_slice %get3A_379 {offsets = [1], sizes = [1], strides = [1]} : vector<16xi32> to vector<1xi32>
        %squeeze3A_396 = vector.extract %slice3A_395[0] : i32 from vector<1xi32>
        %add3A_397 = arith.constant 1 : i32
        %add3A_398 = arith.addi %mul3A_375, %add3A_397 : i32
        %dma_start3A_399 = arith.constant 1 : i32
        %dma_start3A_400 = arith.constant 0 : i32
        %dma_start3A_401 = tpu.memref_slice %arg6[%dma_start3A_399, %add3A_398, %dma_start3A_400] : memref<2x200x64xf32, #tpu.memory_space<vmem>> -> memref<1x1x64xf32, #tpu.memory_space<vmem>>
        %dma_start3A_402 = tpu.memref_squeeze %dma_start3A_401 : memref<1x1x64xf32, #tpu.memory_space<vmem>> -> memref<1x64xf32, #tpu.memory_space<vmem>>
        %dma_start3A_403 = arith.constant 0 : i32
        %dma_start3A_404 = tpu.memref_slice %arg3[%squeeze3A_396, %dma_start3A_403] : memref<1000000x64xf32, #tpu.memory_space<hbm>> -> memref<1x64xf32, #tpu.memory_space<hbm>>
        %dma_start3A_405 = arith.constant 0 : i32
        %dma_start3A_406 = tpu.memref_slice %arg6[%dma_start3A_399, %add3A_398, %dma_start3A_405] : memref<2x200x64xf32, #tpu.memory_space<vmem>> -> memref<1x1x64xf32, #tpu.memory_space<vmem>>
        %dma_start3A_407 = tpu.memref_squeeze %dma_start3A_406 : memref<1x1x64xf32, #tpu.memory_space<vmem>> -> memref<1x64xf32, #tpu.memory_space<vmem>>
        %dma_start3A_408 = arith.constant 0 : i32
        %dma_start3A_409 = tpu.memref_slice %arg3[%squeeze3A_396, %dma_start3A_408] : memref<1000000x64xf32, #tpu.memory_space<hbm>> -> memref<1x64xf32, #tpu.memory_space<hbm>>
        tpu.enqueue_dma source(%dma_start3A_409 : memref<1x64xf32, #tpu.memory_space<hbm>>) target(%dma_start3A_407 : memref<1x64xf32, #tpu.memory_space<vmem>>) target_semaphore(%arg8 : memref<!tpu.dma_semaphore, #tpu.memory_space<semaphore_mem>>)
        %slice3A_410 = vector.extract_strided_slice %get3A_379 {offsets = [2], sizes = [1], strides = [1]} : vector<16xi32> to vector<1xi32>
        %squeeze3A_411 = vector.extract %slice3A_410[0] : i32 from vector<1xi32>
        %add3A_412 = arith.constant 2 : i32
        %add3A_413 = arith.addi %mul3A_375, %add3A_412 : i32
        %dma_start3A_414 = arith.constant 1 : i32
        %dma_start3A_415 = arith.constant 0 : i32
        %dma_start3A_416 = tpu.memref_slice %arg6[%dma_start3A_414, %add3A_413, %dma_start3A_415] : memref<2x200x64xf32, #tpu.memory_space<vmem>> -> memref<1x1x64xf32, #tpu.memory_space<vmem>>
        %dma_start3A_417 = tpu.memref_squeeze %dma_start3A_416 : memref<1x1x64xf32, #tpu.memory_space<vmem>> -> memref<1x64xf32, #tpu.memory_space<vmem>>
        %dma_start3A_418 = arith.constant 0 : i32
        %dma_start3A_419 = tpu.memref_slice %arg3[%squeeze3A_411, %dma_start3A_418] : memref<1000000x64xf32, #tpu.memory_space<hbm>> -> memref<1x64xf32, #tpu.memory_space<hbm>>
        %dma_start3A_420 = arith.constant 0 : i32
        %dma_start3A_421 = tpu.memref_slice %arg6[%dma_start3A_414, %add3A_413, %dma_start3A_420] : memref<2x200x64xf32, #tpu.memory_space<vmem>> -> memref<1x1x64xf32, #tpu.memory_space<vmem>>
        %dma_start3A_422 = tpu.memref_squeeze %dma_start3A_421 : memref<1x1x64xf32, #tpu.memory_space<vmem>> -> memref<1x64xf32, #tpu.memory_space<vmem>>
        %dma_start3A_423 = arith.constant 0 : i32
        %dma_start3A_424 = tpu.memref_slice %arg3[%squeeze3A_411, %dma_start3A_423] : memref<1000000x64xf32, #tpu.memory_space<hbm>> -> memref<1x64xf32, #tpu.memory_space<hbm>>
        tpu.enqueue_dma source(%dma_start3A_424 : memref<1x64xf32, #tpu.memory_space<hbm>>) target(%dma_start3A_422 : memref<1x64xf32, #tpu.memory_space<vmem>>) target_semaphore(%arg8 : memref<!tpu.dma_semaphore, #tpu.memory_space<semaphore_mem>>)
        %slice3A_425 = vector.extract_strided_slice %get3A_379 {offsets = [3], sizes = [1], strides = [1]} : vector<16xi32> to vector<1xi32>
        %squeeze3A_426 = vector.extract %slice3A_425[0] : i32 from vector<1xi32>
        %add3A_427 = arith.constant 3 : i32
        %add3A_428 = arith.addi %mul3A_375, %add3A_427 : i32
        %dma_start3A_429 = arith.constant 1 : i32
        %dma_start3A_430 = arith.constant 0 : i32
        %dma_start3A_431 = tpu.memref_slice %arg6[%dma_start3A_429, %add3A_428, %dma_start3A_430] : memref<2x200x64xf32, #tpu.memory_space<vmem>> -> memref<1x1x64xf32, #tpu.memory_space<vmem>>
        %dma_start3A_432 = tpu.memref_squeeze %dma_start3A_431 : memref<1x1x64xf32, #tpu.memory_space<vmem>> -> memref<1x64xf32, #tpu.memory_space<vmem>>
        %dma_start3A_433 = arith.constant 0 : i32
        %dma_start3A_434 = tpu.memref_slice %arg3[%squeeze3A_426, %dma_start3A_433] : memref<1000000x64xf32, #tpu.memory_space<hbm>> -> memref<1x64xf32, #tpu.memory_space<hbm>>
        %dma_start3A_435 = arith.constant 0 : i32
        %dma_start3A_436 = tpu.memref_slice %arg6[%dma_start3A_429, %add3A_428, %dma_start3A_435] : memref<2x200x64xf32, #tpu.memory_space<vmem>> -> memref<1x1x64xf32, #tpu.memory_space<vmem>>
        %dma_start3A_437 = tpu.memref_squeeze %dma_start3A_436 : memref<1x1x64xf32, #tpu.memory_space<vmem>> -> memref<1x64xf32, #tpu.memory_space<vmem>>
        %dma_start3A_438 = arith.constant 0 : i32
        %dma_start3A_439 = tpu.memref_slice %arg3[%squeeze3A_426, %dma_start3A_438] : memref<1000000x64xf32, #tpu.memory_space<hbm>> -> memref<1x64xf32, #tpu.memory_space<hbm>>
        tpu.enqueue_dma source(%dma_start3A_439 : memref<1x64xf32, #tpu.memory_space<hbm>>) target(%dma_start3A_437 : memref<1x64xf32, #tpu.memory_space<vmem>>) target_semaphore(%arg8 : memref<!tpu.dma_semaphore, #tpu.memory_space<semaphore_mem>>)
        %slice3A_440 = vector.extract_strided_slice %get3A_379 {offsets = [4], sizes = [1], strides = [1]} : vector<16xi32> to vector<1xi32>
        %squeeze3A_441 = vector.extract %slice3A_440[0] : i32 from vector<1xi32>
        %add3A_442 = arith.constant 4 : i32
        %add3A_443 = arith.addi %mul3A_375, %add3A_442 : i32
        %dma_start3A_444 = arith.constant 1 : i32
        %dma_start3A_445 = arith.constant 0 : i32
        %dma_start3A_446 = tpu.memref_slice %arg6[%dma_start3A_444, %add3A_443, %dma_start3A_445] : memref<2x200x64xf32, #tpu.memory_space<vmem>> -> memref<1x1x64xf32, #tpu.memory_space<vmem>>
        %dma_start3A_447 = tpu.memref_squeeze %dma_start3A_446 : memref<1x1x64xf32, #tpu.memory_space<vmem>> -> memref<1x64xf32, #tpu.memory_space<vmem>>
        %dma_start3A_448 = arith.constant 0 : i32
        %dma_start3A_449 = tpu.memref_slice %arg3[%squeeze3A_441, %dma_start3A_448] : memref<1000000x64xf32, #tpu.memory_space<hbm>> -> memref<1x64xf32, #tpu.memory_space<hbm>>
        %dma_start3A_450 = arith.constant 0 : i32
        %dma_start3A_451 = tpu.memref_slice %arg6[%dma_start3A_444, %add3A_443, %dma_start3A_450] : memref<2x200x64xf32, #tpu.memory_space<vmem>> -> memref<1x1x64xf32, #tpu.memory_space<vmem>>
        %dma_start3A_452 = tpu.memref_squeeze %dma_start3A_451 : memref<1x1x64xf32, #tpu.memory_space<vmem>> -> memref<1x64xf32, #tpu.memory_space<vmem>>
        %dma_start3A_453 = arith.constant 0 : i32
        %dma_start3A_454 = tpu.memref_slice %arg3[%squeeze3A_441, %dma_start3A_453] : memref<1000000x64xf32, #tpu.memory_space<hbm>> -> memref<1x64xf32, #tpu.memory_space<hbm>>
        tpu.enqueue_dma source(%dma_start3A_454 : memref<1x64xf32, #tpu.memory_space<hbm>>) target(%dma_start3A_452 : memref<1x64xf32, #tpu.memory_space<vmem>>) target_semaphore(%arg8 : memref<!tpu.dma_semaphore, #tpu.memory_space<semaphore_mem>>)
        %slice3A_455 = vector.extract_strided_slice %get3A_379 {offsets = [5], sizes = [1], strides = [1]} : vector<16xi32> to vector<1xi32>
        %squeeze3A_456 = vector.extract %slice3A_455[0] : i32 from vector<1xi32>
        %add3A_457 = arith.constant 5 : i32
        %add3A_458 = arith.addi %mul3A_375, %add3A_457 : i32
        %dma_start3A_459 = arith.constant 1 : i32
        %dma_start3A_460 = arith.constant 0 : i32
        %dma_start3A_461 = tpu.memref_slice %arg6[%dma_start3A_459, %add3A_458, %dma_start3A_460] : memref<2x200x64xf32, #tpu.memory_space<vmem>> -> memref<1x1x64xf32, #tpu.memory_space<vmem>>
        %dma_start3A_462 = tpu.memref_squeeze %dma_start3A_461 : memref<1x1x64xf32, #tpu.memory_space<vmem>> -> memref<1x64xf32, #tpu.memory_space<vmem>>
        %dma_start3A_463 = arith.constant 0 : i32
        %dma_start3A_464 = tpu.memref_slice %arg3[%squeeze3A_456, %dma_start3A_463] : memref<1000000x64xf32, #tpu.memory_space<hbm>> -> memref<1x64xf32, #tpu.memory_space<hbm>>
        %dma_start3A_465 = arith.constant 0 : i32
        %dma_start3A_466 = tpu.memref_slice %arg6[%dma_start3A_459, %add3A_458, %dma_start3A_465] : memref<2x200x64xf32, #tpu.memory_space<vmem>> -> memref<1x1x64xf32, #tpu.memory_space<vmem>>
        %dma_start3A_467 = tpu.memref_squeeze %dma_start3A_466 : memref<1x1x64xf32, #tpu.memory_space<vmem>> -> memref<1x64xf32, #tpu.memory_space<vmem>>
        %dma_start3A_468 = arith.constant 0 : i32
        %dma_start3A_469 = tpu.memref_slice %arg3[%squeeze3A_456, %dma_start3A_468] : memref<1000000x64xf32, #tpu.memory_space<hbm>> -> memref<1x64xf32, #tpu.memory_space<hbm>>
        tpu.enqueue_dma source(%dma_start3A_469 : memref<1x64xf32, #tpu.memory_space<hbm>>) target(%dma_start3A_467 : memref<1x64xf32, #tpu.memory_space<vmem>>) target_semaphore(%arg8 : memref<!tpu.dma_semaphore, #tpu.memory_space<semaphore_mem>>)
        %slice3A_470 = vector.extract_strided_slice %get3A_379 {offsets = [6], sizes = [1], strides = [1]} : vector<16xi32> to vector<1xi32>
        %squeeze3A_471 = vector.extract %slice3A_470[0] : i32 from vector<1xi32>
        %add3A_472 = arith.constant 6 : i32
        %add3A_473 = arith.addi %mul3A_375, %add3A_472 : i32
        %dma_start3A_474 = arith.constant 1 : i32
        %dma_start3A_475 = arith.constant 0 : i32
        %dma_start3A_476 = tpu.memref_slice %arg6[%dma_start3A_474, %add3A_473, %dma_start3A_475] : memref<2x200x64xf32, #tpu.memory_space<vmem>> -> memref<1x1x64xf32, #tpu.memory_space<vmem>>
        %dma_start3A_477 = tpu.memref_squeeze %dma_start3A_476 : memref<1x1x64xf32, #tpu.memory_space<vmem>> -> memref<1x64xf32, #tpu.memory_space<vmem>>
        %dma_start3A_478 = arith.constant 0 : i32
        %dma_start3A_479 = tpu.memref_slice %arg3[%squeeze3A_471, %dma_start3A_478] : memref<1000000x64xf32, #tpu.memory_space<hbm>> -> memref<1x64xf32, #tpu.memory_space<hbm>>
        %dma_start3A_480 = arith.constant 0 : i32
        %dma_start3A_481 = tpu.memref_slice %arg6[%dma_start3A_474, %add3A_473, %dma_start3A_480] : memref<2x200x64xf32, #tpu.memory_space<vmem>> -> memref<1x1x64xf32, #tpu.memory_space<vmem>>
        %dma_start3A_482 = tpu.memref_squeeze %dma_start3A_481 : memref<1x1x64xf32, #tpu.memory_space<vmem>> -> memref<1x64xf32, #tpu.memory_space<vmem>>
        %dma_start3A_483 = arith.constant 0 : i32
        %dma_start3A_484 = tpu.memref_slice %arg3[%squeeze3A_471, %dma_start3A_483] : memref<1000000x64xf32, #tpu.memory_space<hbm>> -> memref<1x64xf32, #tpu.memory_space<hbm>>
        tpu.enqueue_dma source(%dma_start3A_484 : memref<1x64xf32, #tpu.memory_space<hbm>>) target(%dma_start3A_482 : memref<1x64xf32, #tpu.memory_space<vmem>>) target_semaphore(%arg8 : memref<!tpu.dma_semaphore, #tpu.memory_space<semaphore_mem>>)
        %slice3A_485 = vector.extract_strided_slice %get3A_379 {offsets = [7], sizes = [1], strides = [1]} : vector<16xi32> to vector<1xi32>
        %squeeze3A_486 = vector.extract %slice3A_485[0] : i32 from vector<1xi32>
        %add3A_487 = arith.constant 7 : i32
        %add3A_488 = arith.addi %mul3A_375, %add3A_487 : i32
        %dma_start3A_489 = arith.constant 1 : i32
        %dma_start3A_490 = arith.constant 0 : i32
        %dma_start3A_491 = tpu.memref_slice %arg6[%dma_start3A_489, %add3A_488, %dma_start3A_490] : memref<2x200x64xf32, #tpu.memory_space<vmem>> -> memref<1x1x64xf32, #tpu.memory_space<vmem>>
        %dma_start3A_492 = tpu.memref_squeeze %dma_start3A_491 : memref<1x1x64xf32, #tpu.memory_space<vmem>> -> memref<1x64xf32, #tpu.memory_space<vmem>>
        %dma_start3A_493 = arith.constant 0 : i32
        %dma_start3A_494 = tpu.memref_slice %arg3[%squeeze3A_486, %dma_start3A_493] : memref<1000000x64xf32, #tpu.memory_space<hbm>> -> memref<1x64xf32, #tpu.memory_space<hbm>>
        %dma_start3A_495 = arith.constant 0 : i32
        %dma_start3A_496 = tpu.memref_slice %arg6[%dma_start3A_489, %add3A_488, %dma_start3A_495] : memref<2x200x64xf32, #tpu.memory_space<vmem>> -> memref<1x1x64xf32, #tpu.memory_space<vmem>>
        %dma_start3A_497 = tpu.memref_squeeze %dma_start3A_496 : memref<1x1x64xf32, #tpu.memory_space<vmem>> -> memref<1x64xf32, #tpu.memory_space<vmem>>
        %dma_start3A_498 = arith.constant 0 : i32
        %dma_start3A_499 = tpu.memref_slice %arg3[%squeeze3A_486, %dma_start3A_498] : memref<1000000x64xf32, #tpu.memory_space<hbm>> -> memref<1x64xf32, #tpu.memory_space<hbm>>
        tpu.enqueue_dma source(%dma_start3A_499 : memref<1x64xf32, #tpu.memory_space<hbm>>) target(%dma_start3A_497 : memref<1x64xf32, #tpu.memory_space<vmem>>) target_semaphore(%arg8 : memref<!tpu.dma_semaphore, #tpu.memory_space<semaphore_mem>>)
        %slice3A_500 = vector.extract_strided_slice %get3A_379 {offsets = [8], sizes = [1], strides = [1]} : vector<16xi32> to vector<1xi32>
        %squeeze3A_501 = vector.extract %slice3A_500[0] : i32 from vector<1xi32>
        %add3A_502 = arith.constant 8 : i32
        %add3A_503 = arith.addi %mul3A_375, %add3A_502 : i32
        %dma_start3A_504 = arith.constant 1 : i32
        %dma_start3A_505 = arith.constant 0 : i32
        %dma_start3A_506 = tpu.memref_slice %arg6[%dma_start3A_504, %add3A_503, %dma_start3A_505] : memref<2x200x64xf32, #tpu.memory_space<vmem>> -> memref<1x1x64xf32, #tpu.memory_space<vmem>>
        %dma_start3A_507 = tpu.memref_squeeze %dma_start3A_506 : memref<1x1x64xf32, #tpu.memory_space<vmem>> -> memref<1x64xf32, #tpu.memory_space<vmem>>
        %dma_start3A_508 = arith.constant 0 : i32
        %dma_start3A_509 = tpu.memref_slice %arg3[%squeeze3A_501, %dma_start3A_508] : memref<1000000x64xf32, #tpu.memory_space<hbm>> -> memref<1x64xf32, #tpu.memory_space<hbm>>
        %dma_start3A_510 = arith.constant 0 : i32
        %dma_start3A_511 = tpu.memref_slice %arg6[%dma_start3A_504, %add3A_503, %dma_start3A_510] : memref<2x200x64xf32, #tpu.memory_space<vmem>> -> memref<1x1x64xf32, #tpu.memory_space<vmem>>
        %dma_start3A_512 = tpu.memref_squeeze %dma_start3A_511 : memref<1x1x64xf32, #tpu.memory_space<vmem>> -> memref<1x64xf32, #tpu.memory_space<vmem>>
        %dma_start3A_513 = arith.constant 0 : i32
        %dma_start3A_514 = tpu.memref_slice %arg3[%squeeze3A_501, %dma_start3A_513] : memref<1000000x64xf32, #tpu.memory_space<hbm>> -> memref<1x64xf32, #tpu.memory_space<hbm>>
        tpu.enqueue_dma source(%dma_start3A_514 : memref<1x64xf32, #tpu.memory_space<hbm>>) target(%dma_start3A_512 : memref<1x64xf32, #tpu.memory_space<vmem>>) target_semaphore(%arg8 : memref<!tpu.dma_semaphore, #tpu.memory_space<semaphore_mem>>)
        %slice3A_515 = vector.extract_strided_slice %get3A_379 {offsets = [9], sizes = [1], strides = [1]} : vector<16xi32> to vector<1xi32>
        %squeeze3A_516 = vector.extract %slice3A_515[0] : i32 from vector<1xi32>
        %add3A_517 = arith.constant 9 : i32
        %add3A_518 = arith.addi %mul3A_375, %add3A_517 : i32
        %dma_start3A_519 = arith.constant 1 : i32
        %dma_start3A_520 = arith.constant 0 : i32
        %dma_start3A_521 = tpu.memref_slice %arg6[%dma_start3A_519, %add3A_518, %dma_start3A_520] : memref<2x200x64xf32, #tpu.memory_space<vmem>> -> memref<1x1x64xf32, #tpu.memory_space<vmem>>
        %dma_start3A_522 = tpu.memref_squeeze %dma_start3A_521 : memref<1x1x64xf32, #tpu.memory_space<vmem>> -> memref<1x64xf32, #tpu.memory_space<vmem>>
        %dma_start3A_523 = arith.constant 0 : i32
        %dma_start3A_524 = tpu.memref_slice %arg3[%squeeze3A_516, %dma_start3A_523] : memref<1000000x64xf32, #tpu.memory_space<hbm>> -> memref<1x64xf32, #tpu.memory_space<hbm>>
        %dma_start3A_525 = arith.constant 0 : i32
        %dma_start3A_526 = tpu.memref_slice %arg6[%dma_start3A_519, %add3A_518, %dma_start3A_525] : memref<2x200x64xf32, #tpu.memory_space<vmem>> -> memref<1x1x64xf32, #tpu.memory_space<vmem>>
        %dma_start3A_527 = tpu.memref_squeeze %dma_start3A_526 : memref<1x1x64xf32, #tpu.memory_space<vmem>> -> memref<1x64xf32, #tpu.memory_space<vmem>>
        %dma_start3A_528 = arith.constant 0 : i32
        %dma_start3A_529 = tpu.memref_slice %arg3[%squeeze3A_516, %dma_start3A_528] : memref<1000000x64xf32, #tpu.memory_space<hbm>> -> memref<1x64xf32, #tpu.memory_space<hbm>>
        tpu.enqueue_dma source(%dma_start3A_529 : memref<1x64xf32, #tpu.memory_space<hbm>>) target(%dma_start3A_527 : memref<1x64xf32, #tpu.memory_space<vmem>>) target_semaphore(%arg8 : memref<!tpu.dma_semaphore, #tpu.memory_space<semaphore_mem>>)
        %slice3A_530 = vector.extract_strided_slice %get3A_379 {offsets = [10], sizes = [1], strides = [1]} : vector<16xi32> to vector<1xi32>
        %squeeze3A_531 = vector.extract %slice3A_530[0] : i32 from vector<1xi32>
        %add3A_532 = arith.constant 10 : i32
        %add3A_533 = arith.addi %mul3A_375, %add3A_532 : i32
        %dma_start3A_534 = arith.constant 1 : i32
        %dma_start3A_535 = arith.constant 0 : i32
        %dma_start3A_536 = tpu.memref_slice %arg6[%dma_start3A_534, %add3A_533, %dma_start3A_535] : memref<2x200x64xf32, #tpu.memory_space<vmem>> -> memref<1x1x64xf32, #tpu.memory_space<vmem>>
        %dma_start3A_537 = tpu.memref_squeeze %dma_start3A_536 : memref<1x1x64xf32, #tpu.memory_space<vmem>> -> memref<1x64xf32, #tpu.memory_space<vmem>>
        %dma_start3A_538 = arith.constant 0 : i32
        %dma_start3A_539 = tpu.memref_slice %arg3[%squeeze3A_531, %dma_start3A_538] : memref<1000000x64xf32, #tpu.memory_space<hbm>> -> memref<1x64xf32, #tpu.memory_space<hbm>>
        %dma_start3A_540 = arith.constant 0 : i32
        %dma_start3A_541 = tpu.memref_slice %arg6[%dma_start3A_534, %add3A_533, %dma_start3A_540] : memref<2x200x64xf32, #tpu.memory_space<vmem>> -> memref<1x1x64xf32, #tpu.memory_space<vmem>>
        %dma_start3A_542 = tpu.memref_squeeze %dma_start3A_541 : memref<1x1x64xf32, #tpu.memory_space<vmem>> -> memref<1x64xf32, #tpu.memory_space<vmem>>
        %dma_start3A_543 = arith.constant 0 : i32
        %dma_start3A_544 = tpu.memref_slice %arg3[%squeeze3A_531, %dma_start3A_543] : memref<1000000x64xf32, #tpu.memory_space<hbm>> -> memref<1x64xf32, #tpu.memory_space<hbm>>
        tpu.enqueue_dma source(%dma_start3A_544 : memref<1x64xf32, #tpu.memory_space<hbm>>) target(%dma_start3A_542 : memref<1x64xf32, #tpu.memory_space<vmem>>) target_semaphore(%arg8 : memref<!tpu.dma_semaphore, #tpu.memory_space<semaphore_mem>>)
        %slice3A_545 = vector.extract_strided_slice %get3A_379 {offsets = [11], sizes = [1], strides = [1]} : vector<16xi32> to vector<1xi32>
        %squeeze3A_546 = vector.extract %slice3A_545[0] : i32 from vector<1xi32>
        %add3A_547 = arith.constant 11 : i32
        %add3A_548 = arith.addi %mul3A_375, %add3A_547 : i32
        %dma_start3A_549 = arith.constant 1 : i32
        %dma_start3A_550 = arith.constant 0 : i32
        %dma_start3A_551 = tpu.memref_slice %arg6[%dma_start3A_549, %add3A_548, %dma_start3A_550] : memref<2x200x64xf32, #tpu.memory_space<vmem>> -> memref<1x1x64xf32, #tpu.memory_space<vmem>>
        %dma_start3A_552 = tpu.memref_squeeze %dma_start3A_551 : memref<1x1x64xf32, #tpu.memory_space<vmem>> -> memref<1x64xf32, #tpu.memory_space<vmem>>
        %dma_start3A_553 = arith.constant 0 : i32
        %dma_start3A_554 = tpu.memref_slice %arg3[%squeeze3A_546, %dma_start3A_553] : memref<1000000x64xf32, #tpu.memory_space<hbm>> -> memref<1x64xf32, #tpu.memory_space<hbm>>
        %dma_start3A_555 = arith.constant 0 : i32
        %dma_start3A_556 = tpu.memref_slice %arg6[%dma_start3A_549, %add3A_548, %dma_start3A_555] : memref<2x200x64xf32, #tpu.memory_space<vmem>> -> memref<1x1x64xf32, #tpu.memory_space<vmem>>
        %dma_start3A_557 = tpu.memref_squeeze %dma_start3A_556 : memref<1x1x64xf32, #tpu.memory_space<vmem>> -> memref<1x64xf32, #tpu.memory_space<vmem>>
        %dma_start3A_558 = arith.constant 0 : i32
        %dma_start3A_559 = tpu.memref_slice %arg3[%squeeze3A_546, %dma_start3A_558] : memref<1000000x64xf32, #tpu.memory_space<hbm>> -> memref<1x64xf32, #tpu.memory_space<hbm>>
        tpu.enqueue_dma source(%dma_start3A_559 : memref<1x64xf32, #tpu.memory_space<hbm>>) target(%dma_start3A_557 : memref<1x64xf32, #tpu.memory_space<vmem>>) target_semaphore(%arg8 : memref<!tpu.dma_semaphore, #tpu.memory_space<semaphore_mem>>)
        %slice3A_560 = vector.extract_strided_slice %get3A_379 {offsets = [12], sizes = [1], strides = [1]} : vector<16xi32> to vector<1xi32>
        %squeeze3A_561 = vector.extract %slice3A_560[0] : i32 from vector<1xi32>
        %add3A_562 = arith.constant 12 : i32
        %add3A_563 = arith.addi %mul3A_375, %add3A_562 : i32
        %dma_start3A_564 = arith.constant 1 : i32
        %dma_start3A_565 = arith.constant 0 : i32
        %dma_start3A_566 = tpu.memref_slice %arg6[%dma_start3A_564, %add3A_563, %dma_start3A_565] : memref<2x200x64xf32, #tpu.memory_space<vmem>> -> memref<1x1x64xf32, #tpu.memory_space<vmem>>
        %dma_start3A_567 = tpu.memref_squeeze %dma_start3A_566 : memref<1x1x64xf32, #tpu.memory_space<vmem>> -> memref<1x64xf32, #tpu.memory_space<vmem>>
        %dma_start3A_568 = arith.constant 0 : i32
        %dma_start3A_569 = tpu.memref_slice %arg3[%squeeze3A_561, %dma_start3A_568] : memref<1000000x64xf32, #tpu.memory_space<hbm>> -> memref<1x64xf32, #tpu.memory_space<hbm>>
        %dma_start3A_570 = arith.constant 0 : i32
        %dma_start3A_571 = tpu.memref_slice %arg6[%dma_start3A_564, %add3A_563, %dma_start3A_570] : memref<2x200x64xf32, #tpu.memory_space<vmem>> -> memref<1x1x64xf32, #tpu.memory_space<vmem>>
        %dma_start3A_572 = tpu.memref_squeeze %dma_start3A_571 : memref<1x1x64xf32, #tpu.memory_space<vmem>> -> memref<1x64xf32, #tpu.memory_space<vmem>>
        %dma_start3A_573 = arith.constant 0 : i32
        %dma_start3A_574 = tpu.memref_slice %arg3[%squeeze3A_561, %dma_start3A_573] : memref<1000000x64xf32, #tpu.memory_space<hbm>> -> memref<1x64xf32, #tpu.memory_space<hbm>>
        tpu.enqueue_dma source(%dma_start3A_574 : memref<1x64xf32, #tpu.memory_space<hbm>>) target(%dma_start3A_572 : memref<1x64xf32, #tpu.memory_space<vmem>>) target_semaphore(%arg8 : memref<!tpu.dma_semaphore, #tpu.memory_space<semaphore_mem>>)
        %slice3A_575 = vector.extract_strided_slice %get3A_379 {offsets = [13], sizes = [1], strides = [1]} : vector<16xi32> to vector<1xi32>
        %squeeze3A_576 = vector.extract %slice3A_575[0] : i32 from vector<1xi32>
        %add3A_577 = arith.constant 13 : i32
        %add3A_578 = arith.addi %mul3A_375, %add3A_577 : i32
        %dma_start3A_579 = arith.constant 1 : i32
        %dma_start3A_580 = arith.constant 0 : i32
        %dma_start3A_581 = tpu.memref_slice %arg6[%dma_start3A_579, %add3A_578, %dma_start3A_580] : memref<2x200x64xf32, #tpu.memory_space<vmem>> -> memref<1x1x64xf32, #tpu.memory_space<vmem>>
        %dma_start3A_582 = tpu.memref_squeeze %dma_start3A_581 : memref<1x1x64xf32, #tpu.memory_space<vmem>> -> memref<1x64xf32, #tpu.memory_space<vmem>>
        %dma_start3A_583 = arith.constant 0 : i32
        %dma_start3A_584 = tpu.memref_slice %arg3[%squeeze3A_576, %dma_start3A_583] : memref<1000000x64xf32, #tpu.memory_space<hbm>> -> memref<1x64xf32, #tpu.memory_space<hbm>>
        %dma_start3A_585 = arith.constant 0 : i32
        %dma_start3A_586 = tpu.memref_slice %arg6[%dma_start3A_579, %add3A_578, %dma_start3A_585] : memref<2x200x64xf32, #tpu.memory_space<vmem>> -> memref<1x1x64xf32, #tpu.memory_space<vmem>>
        %dma_start3A_587 = tpu.memref_squeeze %dma_start3A_586 : memref<1x1x64xf32, #tpu.memory_space<vmem>> -> memref<1x64xf32, #tpu.memory_space<vmem>>
        %dma_start3A_588 = arith.constant 0 : i32
        %dma_start3A_589 = tpu.memref_slice %arg3[%squeeze3A_576, %dma_start3A_588] : memref<1000000x64xf32, #tpu.memory_space<hbm>> -> memref<1x64xf32, #tpu.memory_space<hbm>>
        tpu.enqueue_dma source(%dma_start3A_589 : memref<1x64xf32, #tpu.memory_space<hbm>>) target(%dma_start3A_587 : memref<1x64xf32, #tpu.memory_space<vmem>>) target_semaphore(%arg8 : memref<!tpu.dma_semaphore, #tpu.memory_space<semaphore_mem>>)
        %slice3A_590 = vector.extract_strided_slice %get3A_379 {offsets = [14], sizes = [1], strides = [1]} : vector<16xi32> to vector<1xi32>
        %squeeze3A_591 = vector.extract %slice3A_590[0] : i32 from vector<1xi32>
        %add3A_592 = arith.constant 14 : i32
        %add3A_593 = arith.addi %mul3A_375, %add3A_592 : i32
        %dma_start3A_594 = arith.constant 1 : i32
        %dma_start3A_595 = arith.constant 0 : i32
        %dma_start3A_596 = tpu.memref_slice %arg6[%dma_start3A_594, %add3A_593, %dma_start3A_595] : memref<2x200x64xf32, #tpu.memory_space<vmem>> -> memref<1x1x64xf32, #tpu.memory_space<vmem>>
        %dma_start3A_597 = tpu.memref_squeeze %dma_start3A_596 : memref<1x1x64xf32, #tpu.memory_space<vmem>> -> memref<1x64xf32, #tpu.memory_space<vmem>>
        %dma_start3A_598 = arith.constant 0 : i32
        %dma_start3A_599 = tpu.memref_slice %arg3[%squeeze3A_591, %dma_start3A_598] : memref<1000000x64xf32, #tpu.memory_space<hbm>> -> memref<1x64xf32, #tpu.memory_space<hbm>>
        %dma_start3A_600 = arith.constant 0 : i32
        %dma_start3A_601 = tpu.memref_slice %arg6[%dma_start3A_594, %add3A_593, %dma_start3A_600] : memref<2x200x64xf32, #tpu.memory_space<vmem>> -> memref<1x1x64xf32, #tpu.memory_space<vmem>>
        %dma_start3A_602 = tpu.memref_squeeze %dma_start3A_601 : memref<1x1x64xf32, #tpu.memory_space<vmem>> -> memref<1x64xf32, #tpu.memory_space<vmem>>
        %dma_start3A_603 = arith.constant 0 : i32
        %dma_start3A_604 = tpu.memref_slice %arg3[%squeeze3A_591, %dma_start3A_603] : memref<1000000x64xf32, #tpu.memory_space<hbm>> -> memref<1x64xf32, #tpu.memory_space<hbm>>
        tpu.enqueue_dma source(%dma_start3A_604 : memref<1x64xf32, #tpu.memory_space<hbm>>) target(%dma_start3A_602 : memref<1x64xf32, #tpu.memory_space<vmem>>) target_semaphore(%arg8 : memref<!tpu.dma_semaphore, #tpu.memory_space<semaphore_mem>>)
        %slice3A_605 = vector.extract_strided_slice %get3A_379 {offsets = [15], sizes = [1], strides = [1]} : vector<16xi32> to vector<1xi32>
        %squeeze3A_606 = vector.extract %slice3A_605[0] : i32 from vector<1xi32>
        %add3A_607 = arith.constant 15 : i32
        %add3A_608 = arith.addi %mul3A_375, %add3A_607 : i32
        %dma_start3A_609 = arith.constant 1 : i32
        %dma_start3A_610 = arith.constant 0 : i32
        %dma_start3A_611 = tpu.memref_slice %arg6[%dma_start3A_609, %add3A_608, %dma_start3A_610] : memref<2x200x64xf32, #tpu.memory_space<vmem>> -> memref<1x1x64xf32, #tpu.memory_space<vmem>>
        %dma_start3A_612 = tpu.memref_squeeze %dma_start3A_611 : memref<1x1x64xf32, #tpu.memory_space<vmem>> -> memref<1x64xf32, #tpu.memory_space<vmem>>
        %dma_start3A_613 = arith.constant 0 : i32
        %dma_start3A_614 = tpu.memref_slice %arg3[%squeeze3A_606, %dma_start3A_613] : memref<1000000x64xf32, #tpu.memory_space<hbm>> -> memref<1x64xf32, #tpu.memory_space<hbm>>
        %dma_start3A_615 = arith.constant 0 : i32
        %dma_start3A_616 = tpu.memref_slice %arg6[%dma_start3A_609, %add3A_608, %dma_start3A_615] : memref<2x200x64xf32, #tpu.memory_space<vmem>> -> memref<1x1x64xf32, #tpu.memory_space<vmem>>
        %dma_start3A_617 = tpu.memref_squeeze %dma_start3A_616 : memref<1x1x64xf32, #tpu.memory_space<vmem>> -> memref<1x64xf32, #tpu.memory_space<vmem>>
        %dma_start3A_618 = arith.constant 0 : i32
        %dma_start3A_619 = tpu.memref_slice %arg3[%squeeze3A_606, %dma_start3A_618] : memref<1000000x64xf32, #tpu.memory_space<hbm>> -> memref<1x64xf32, #tpu.memory_space<hbm>>
        tpu.enqueue_dma source(%dma_start3A_619 : memref<1x64xf32, #tpu.memory_space<hbm>>) target(%dma_start3A_617 : memref<1x64xf32, #tpu.memory_space<vmem>>) target_semaphore(%arg8 : memref<!tpu.dma_semaphore, #tpu.memory_space<semaphore_mem>>)
      }
      %scan3A_180 = arith.constant 12 : i32
      %get3A_181 = arith.index_cast %add3A_174 : i32 to index
      %get3A_182 = arith.constant 184 : index
      %get3A_183 = tpu.vector_load %arg5[%get3A_181, %get3A_182] {strides = array<i32>} : memref<128x200xi32, #tpu.memory_space<vmem>>, vector<1x16xi32>,
      %get3A_184 = vector.shape_cast %get3A_183 : vector<1x16xi32> to vector<16xi32>
      %slice3A_185 = vector.extract_strided_slice %get3A_184 {offsets = [8], sizes = [1], strides = [1]} : vector<16xi32> to vector<1xi32>
      %squeeze3A_186 = vector.extract %slice3A_185[0] : i32 from vector<1xi32>
      %dma_start3A_187 = arith.constant 1 : i32
      %dma_start3A_188 = arith.constant 192 : i32
      %dma_start3A_189 = arith.constant 0 : i32
      %dma_start3A_190 = tpu.memref_slice %arg6[%dma_start3A_187, %dma_start3A_188, %dma_start3A_189] : memref<2x200x64xf32, #tpu.memory_space<vmem>> -> memref<1x1x64xf32, #tpu.memory_space<vmem>>
      %dma_start3A_191 = tpu.memref_squeeze %dma_start3A_190 : memref<1x1x64xf32, #tpu.memory_space<vmem>> -> memref<1x64xf32, #tpu.memory_space<vmem>>
      %dma_start3A_192 = arith.constant 0 : i32
      %dma_start3A_193 = tpu.memref_slice %arg3[%squeeze3A_186, %dma_start3A_192] : memref<1000000x64xf32, #tpu.memory_space<hbm>> -> memref<1x64xf32, #tpu.memory_space<hbm>>
      %dma_start3A_194 = arith.constant 192 : i32
      %dma_start3A_195 = arith.constant 0 : i32
      %dma_start3A_196 = tpu.memref_slice %arg6[%dma_start3A_187, %dma_start3A_194, %dma_start3A_195] : memref<2x200x64xf32, #tpu.memory_space<vmem>> -> memref<1x1x64xf32, #tpu.memory_space<vmem>>
      %dma_start3A_197 = tpu.memref_squeeze %dma_start3A_196 : memref<1x1x64xf32, #tpu.memory_space<vmem>> -> memref<1x64xf32, #tpu.memory_space<vmem>>
      %dma_start3A_198 = arith.constant 0 : i32
      %dma_start3A_199 = tpu.memref_slice %arg3[%squeeze3A_186, %dma_start3A_198] : memref<1000000x64xf32, #tpu.memory_space<hbm>> -> memref<1x64xf32, #tpu.memory_space<hbm>>
      tpu.enqueue_dma source(%dma_start3A_199 : memref<1x64xf32, #tpu.memory_space<hbm>>) target(%dma_start3A_197 : memref<1x64xf32, #tpu.memory_space<vmem>>) target_semaphore(%arg8 : memref<!tpu.dma_semaphore, #tpu.memory_space<semaphore_mem>>)
      %slice3A_200 = vector.extract_strided_slice %get3A_184 {offsets = [9], sizes = [1], strides = [1]} : vector<16xi32> to vector<1xi32>
      %squeeze3A_201 = vector.extract %slice3A_200[0] : i32 from vector<1xi32>
      %dma_start3A_202 = arith.constant 1 : i32
      %dma_start3A_203 = arith.constant 193 : i32
      %dma_start3A_204 = arith.constant 0 : i32
      %dma_start3A_205 = tpu.memref_slice %arg6[%dma_start3A_202, %dma_start3A_203, %dma_start3A_204] : memref<2x200x64xf32, #tpu.memory_space<vmem>> -> memref<1x1x64xf32, #tpu.memory_space<vmem>>
      %dma_start3A_206 = tpu.memref_squeeze %dma_start3A_205 : memref<1x1x64xf32, #tpu.memory_space<vmem>> -> memref<1x64xf32, #tpu.memory_space<vmem>>
      %dma_start3A_207 = arith.constant 0 : i32
      %dma_start3A_208 = tpu.memref_slice %arg3[%squeeze3A_201, %dma_start3A_207] : memref<1000000x64xf32, #tpu.memory_space<hbm>> -> memref<1x64xf32, #tpu.memory_space<hbm>>
      %dma_start3A_209 = arith.constant 193 : i32
      %dma_start3A_210 = arith.constant 0 : i32
      %dma_start3A_211 = tpu.memref_slice %arg6[%dma_start3A_202, %dma_start3A_209, %dma_start3A_210] : memref<2x200x64xf32, #tpu.memory_space<vmem>> -> memref<1x1x64xf32, #tpu.memory_space<vmem>>
      %dma_start3A_212 = tpu.memref_squeeze %dma_start3A_211 : memref<1x1x64xf32, #tpu.memory_space<vmem>> -> memref<1x64xf32, #tpu.memory_space<vmem>>
      %dma_start3A_213 = arith.constant 0 : i32
      %dma_start3A_214 = tpu.memref_slice %arg3[%squeeze3A_201, %dma_start3A_213] : memref<1000000x64xf32, #tpu.memory_space<hbm>> -> memref<1x64xf32, #tpu.memory_space<hbm>>
      tpu.enqueue_dma source(%dma_start3A_214 : memref<1x64xf32, #tpu.memory_space<hbm>>) target(%dma_start3A_212 : memref<1x64xf32, #tpu.memory_space<vmem>>) target_semaphore(%arg8 : memref<!tpu.dma_semaphore, #tpu.memory_space<semaphore_mem>>)
      %slice3A_215 = vector.extract_strided_slice %get3A_184 {offsets = [10], sizes = [1], strides = [1]} : vector<16xi32> to vector<1xi32>
      %squeeze3A_216 = vector.extract %slice3A_215[0] : i32 from vector<1xi32>
      %dma_start3A_217 = arith.constant 1 : i32
      %dma_start3A_218 = arith.constant 194 : i32
      %dma_start3A_219 = arith.constant 0 : i32
      %dma_start3A_220 = tpu.memref_slice %arg6[%dma_start3A_217, %dma_start3A_218, %dma_start3A_219] : memref<2x200x64xf32, #tpu.memory_space<vmem>> -> memref<1x1x64xf32, #tpu.memory_space<vmem>>
      %dma_start3A_221 = tpu.memref_squeeze %dma_start3A_220 : memref<1x1x64xf32, #tpu.memory_space<vmem>> -> memref<1x64xf32, #tpu.memory_space<vmem>>
      %dma_start3A_222 = arith.constant 0 : i32
      %dma_start3A_223 = tpu.memref_slice %arg3[%squeeze3A_216, %dma_start3A_222] : memref<1000000x64xf32, #tpu.memory_space<hbm>> -> memref<1x64xf32, #tpu.memory_space<hbm>>
      %dma_start3A_224 = arith.constant 194 : i32
      %dma_start3A_225 = arith.constant 0 : i32
      %dma_start3A_226 = tpu.memref_slice %arg6[%dma_start3A_217, %dma_start3A_224, %dma_start3A_225] : memref<2x200x64xf32, #tpu.memory_space<vmem>> -> memref<1x1x64xf32, #tpu.memory_space<vmem>>
      %dma_start3A_227 = tpu.memref_squeeze %dma_start3A_226 : memref<1x1x64xf32, #tpu.memory_space<vmem>> -> memref<1x64xf32, #tpu.memory_space<vmem>>
      %dma_start3A_228 = arith.constant 0 : i32
      %dma_start3A_229 = tpu.memref_slice %arg3[%squeeze3A_216, %dma_start3A_228] : memref<1000000x64xf32, #tpu.memory_space<hbm>> -> memref<1x64xf32, #tpu.memory_space<hbm>>
      tpu.enqueue_dma source(%dma_start3A_229 : memref<1x64xf32, #tpu.memory_space<hbm>>) target(%dma_start3A_227 : memref<1x64xf32, #tpu.memory_space<vmem>>) target_semaphore(%arg8 : memref<!tpu.dma_semaphore, #tpu.memory_space<semaphore_mem>>)
      %slice3A_230 = vector.extract_strided_slice %get3A_184 {offsets = [11], sizes = [1], strides = [1]} : vector<16xi32> to vector<1xi32>
      %squeeze3A_231 = vector.extract %slice3A_230[0] : i32 from vector<1xi32>
      %dma_start3A_232 = arith.constant 1 : i32
      %dma_start3A_233 = arith.constant 195 : i32
      %dma_start3A_234 = arith.constant 0 : i32
      %dma_start3A_235 = tpu.memref_slice %arg6[%dma_start3A_232, %dma_start3A_233, %dma_start3A_234] : memref<2x200x64xf32, #tpu.memory_space<vmem>> -> memref<1x1x64xf32, #tpu.memory_space<vmem>>
      %dma_start3A_236 = tpu.memref_squeeze %dma_start3A_235 : memref<1x1x64xf32, #tpu.memory_space<vmem>> -> memref<1x64xf32, #tpu.memory_space<vmem>>
      %dma_start3A_237 = arith.constant 0 : i32
      %dma_start3A_238 = tpu.memref_slice %arg3[%squeeze3A_231, %dma_start3A_237] : memref<1000000x64xf32, #tpu.memory_space<hbm>> -> memref<1x64xf32, #tpu.memory_space<hbm>>
      %dma_start3A_239 = arith.constant 195 : i32
      %dma_start3A_240 = arith.constant 0 : i32
      %dma_start3A_241 = tpu.memref_slice %arg6[%dma_start3A_232, %dma_start3A_239, %dma_start3A_240] : memref<2x200x64xf32, #tpu.memory_space<vmem>> -> memref<1x1x64xf32, #tpu.memory_space<vmem>>
      %dma_start3A_242 = tpu.memref_squeeze %dma_start3A_241 : memref<1x1x64xf32, #tpu.memory_space<vmem>> -> memref<1x64xf32, #tpu.memory_space<vmem>>
      %dma_start3A_243 = arith.constant 0 : i32
      %dma_start3A_244 = tpu.memref_slice %arg3[%squeeze3A_231, %dma_start3A_243] : memref<1000000x64xf32, #tpu.memory_space<hbm>> -> memref<1x64xf32, #tpu.memory_space<hbm>>
      tpu.enqueue_dma source(%dma_start3A_244 : memref<1x64xf32, #tpu.memory_space<hbm>>) target(%dma_start3A_242 : memref<1x64xf32, #tpu.memory_space<vmem>>) target_semaphore(%arg8 : memref<!tpu.dma_semaphore, #tpu.memory_space<semaphore_mem>>)
      %slice3A_245 = vector.extract_strided_slice %get3A_184 {offsets = [12], sizes = [1], strides = [1]} : vector<16xi32> to vector<1xi32>
      %squeeze3A_246 = vector.extract %slice3A_245[0] : i32 from vector<1xi32>
      %dma_start3A_247 = arith.constant 1 : i32
      %dma_start3A_248 = arith.constant 196 : i32
      %dma_start3A_249 = arith.constant 0 : i32
      %dma_start3A_250 = tpu.memref_slice %arg6[%dma_start3A_247, %dma_start3A_248, %dma_start3A_249] : memref<2x200x64xf32, #tpu.memory_space<vmem>> -> memref<1x1x64xf32, #tpu.memory_space<vmem>>
      %dma_start3A_251 = tpu.memref_squeeze %dma_start3A_250 : memref<1x1x64xf32, #tpu.memory_space<vmem>> -> memref<1x64xf32, #tpu.memory_space<vmem>>
      %dma_start3A_252 = arith.constant 0 : i32
      %dma_start3A_253 = tpu.memref_slice %arg3[%squeeze3A_246, %dma_start3A_252] : memref<1000000x64xf32, #tpu.memory_space<hbm>> -> memref<1x64xf32, #tpu.memory_space<hbm>>
      %dma_start3A_254 = arith.constant 196 : i32
      %dma_start3A_255 = arith.constant 0 : i32
      %dma_start3A_256 = tpu.memref_slice %arg6[%dma_start3A_247, %dma_start3A_254, %dma_start3A_255] : memref<2x200x64xf32, #tpu.memory_space<vmem>> -> memref<1x1x64xf32, #tpu.memory_space<vmem>>
      %dma_start3A_257 = tpu.memref_squeeze %dma_start3A_256 : memref<1x1x64xf32, #tpu.memory_space<vmem>> -> memref<1x64xf32, #tpu.memory_space<vmem>>
      %dma_start3A_258 = arith.constant 0 : i32
      %dma_start3A_259 = tpu.memref_slice %arg3[%squeeze3A_246, %dma_start3A_258] : memref<1000000x64xf32, #tpu.memory_space<hbm>> -> memref<1x64xf32, #tpu.memory_space<hbm>>
      tpu.enqueue_dma source(%dma_start3A_259 : memref<1x64xf32, #tpu.memory_space<hbm>>) target(%dma_start3A_257 : memref<1x64xf32, #tpu.memory_space<vmem>>) target_semaphore(%arg8 : memref<!tpu.dma_semaphore, #tpu.memory_space<semaphore_mem>>)
      %slice3A_260 = vector.extract_strided_slice %get3A_184 {offsets = [13], sizes = [1], strides = [1]} : vector<16xi32> to vector<1xi32>
      %squeeze3A_261 = vector.extract %slice3A_260[0] : i32 from vector<1xi32>
      %dma_start3A_262 = arith.constant 1 : i32
      %dma_start3A_263 = arith.constant 197 : i32
      %dma_start3A_264 = arith.constant 0 : i32
      %dma_start3A_265 = tpu.memref_slice %arg6[%dma_start3A_262, %dma_start3A_263, %dma_start3A_264] : memref<2x200x64xf32, #tpu.memory_space<vmem>> -> memref<1x1x64xf32, #tpu.memory_space<vmem>>
      %dma_start3A_266 = tpu.memref_squeeze %dma_start3A_265 : memref<1x1x64xf32, #tpu.memory_space<vmem>> -> memref<1x64xf32, #tpu.memory_space<vmem>>
      %dma_start3A_267 = arith.constant 0 : i32
      %dma_start3A_268 = tpu.memref_slice %arg3[%squeeze3A_261, %dma_start3A_267] : memref<1000000x64xf32, #tpu.memory_space<hbm>> -> memref<1x64xf32, #tpu.memory_space<hbm>>
      %dma_start3A_269 = arith.constant 197 : i32
      %dma_start3A_270 = arith.constant 0 : i32
      %dma_start3A_271 = tpu.memref_slice %arg6[%dma_start3A_262, %dma_start3A_269, %dma_start3A_270] : memref<2x200x64xf32, #tpu.memory_space<vmem>> -> memref<1x1x64xf32, #tpu.memory_space<vmem>>
      %dma_start3A_272 = tpu.memref_squeeze %dma_start3A_271 : memref<1x1x64xf32, #tpu.memory_space<vmem>> -> memref<1x64xf32, #tpu.memory_space<vmem>>
      %dma_start3A_273 = arith.constant 0 : i32
      %dma_start3A_274 = tpu.memref_slice %arg3[%squeeze3A_261, %dma_start3A_273] : memref<1000000x64xf32, #tpu.memory_space<hbm>> -> memref<1x64xf32, #tpu.memory_space<hbm>>
      tpu.enqueue_dma source(%dma_start3A_274 : memref<1x64xf32, #tpu.memory_space<hbm>>) target(%dma_start3A_272 : memref<1x64xf32, #tpu.memory_space<vmem>>) target_semaphore(%arg8 : memref<!tpu.dma_semaphore, #tpu.memory_space<semaphore_mem>>)
      %slice3A_275 = vector.extract_strided_slice %get3A_184 {offsets = [14], sizes = [1], strides = [1]} : vector<16xi32> to vector<1xi32>
      %squeeze3A_276 = vector.extract %slice3A_275[0] : i32 from vector<1xi32>
      %dma_start3A_277 = arith.constant 1 : i32
      %dma_start3A_278 = arith.constant 198 : i32
      %dma_start3A_279 = arith.constant 0 : i32
      %dma_start3A_280 = tpu.memref_slice %arg6[%dma_start3A_277, %dma_start3A_278, %dma_start3A_279] : memref<2x200x64xf32, #tpu.memory_space<vmem>> -> memref<1x1x64xf32, #tpu.memory_space<vmem>>
      %dma_start3A_281 = tpu.memref_squeeze %dma_start3A_280 : memref<1x1x64xf32, #tpu.memory_space<vmem>> -> memref<1x64xf32, #tpu.memory_space<vmem>>
      %dma_start3A_282 = arith.constant 0 : i32
      %dma_start3A_283 = tpu.memref_slice %arg3[%squeeze3A_276, %dma_start3A_282] : memref<1000000x64xf32, #tpu.memory_space<hbm>> -> memref<1x64xf32, #tpu.memory_space<hbm>>
      %dma_start3A_284 = arith.constant 198 : i32
      %dma_start3A_285 = arith.constant 0 : i32
      %dma_start3A_286 = tpu.memref_slice %arg6[%dma_start3A_277, %dma_start3A_284, %dma_start3A_285] : memref<2x200x64xf32, #tpu.memory_space<vmem>> -> memref<1x1x64xf32, #tpu.memory_space<vmem>>
      %dma_start3A_287 = tpu.memref_squeeze %dma_start3A_286 : memref<1x1x64xf32, #tpu.memory_space<vmem>> -> memref<1x64xf32, #tpu.memory_space<vmem>>
      %dma_start3A_288 = arith.constant 0 : i32
      %dma_start3A_289 = tpu.memref_slice %arg3[%squeeze3A_276, %dma_start3A_288] : memref<1000000x64xf32, #tpu.memory_space<hbm>> -> memref<1x64xf32, #tpu.memory_space<hbm>>
      tpu.enqueue_dma source(%dma_start3A_289 : memref<1x64xf32, #tpu.memory_space<hbm>>) target(%dma_start3A_287 : memref<1x64xf32, #tpu.memory_space<vmem>>) target_semaphore(%arg8 : memref<!tpu.dma_semaphore, #tpu.memory_space<semaphore_mem>>)
      %slice3A_290 = vector.extract_strided_slice %get3A_184 {offsets = [15], sizes = [1], strides = [1]} : vector<16xi32> to vector<1xi32>
      %squeeze3A_291 = vector.extract %slice3A_290[0] : i32 from vector<1xi32>
      %dma_start3A_292 = arith.constant 1 : i32
      %dma_start3A_293 = arith.constant 199 : i32
      %dma_start3A_294 = arith.constant 0 : i32
      %dma_start3A_295 = tpu.memref_slice %arg6[%dma_start3A_292, %dma_start3A_293, %dma_start3A_294] : memref<2x200x64xf32, #tpu.memory_space<vmem>> -> memref<1x1x64xf32, #tpu.memory_space<vmem>>
      %dma_start3A_296 = tpu.memref_squeeze %dma_start3A_295 : memref<1x1x64xf32, #tpu.memory_space<vmem>> -> memref<1x64xf32, #tpu.memory_space<vmem>>
      %dma_start3A_297 = arith.constant 0 : i32
      %dma_start3A_298 = tpu.memref_slice %arg3[%squeeze3A_291, %dma_start3A_297] : memref<1000000x64xf32, #tpu.memory_space<hbm>> -> memref<1x64xf32, #tpu.memory_space<hbm>>
      %dma_start3A_299 = arith.constant 199 : i32
      %dma_start3A_300 = arith.constant 0 : i32
      %dma_start3A_301 = tpu.memref_slice %arg6[%dma_start3A_292, %dma_start3A_299, %dma_start3A_300] : memref<2x200x64xf32, #tpu.memory_space<vmem>> -> memref<1x1x64xf32, #tpu.memory_space<vmem>>
      %dma_start3A_302 = tpu.memref_squeeze %dma_start3A_301 : memref<1x1x64xf32, #tpu.memory_space<vmem>> -> memref<1x64xf32, #tpu.memory_space<vmem>>
      %dma_start3A_303 = arith.constant 0 : i32
      %dma_start3A_304 = tpu.memref_slice %arg3[%squeeze3A_291, %dma_start3A_303] : memref<1000000x64xf32, #tpu.memory_space<hbm>> -> memref<1x64xf32, #tpu.memory_space<hbm>>
      tpu.enqueue_dma source(%dma_start3A_304 : memref<1x64xf32, #tpu.memory_space<hbm>>) target(%dma_start3A_302 : memref<1x64xf32, #tpu.memory_space<vmem>>) target_semaphore(%arg8 : memref<!tpu.dma_semaphore, #tpu.memory_space<semaphore_mem>>)
      %dma_wait3A_305 = arith.constant 0 : i32
      %dma_wait3A_306 = arith.constant 0 : i32
      %dma_wait3A_307 = arith.constant 0 : i32
      %dma_wait3A_308 = tpu.memref_slice %arg6[%dma_wait3A_305, %dma_wait3A_306, %dma_wait3A_307] : memref<2x200x64xf32, #tpu.memory_space<vmem>> -> memref<1x200x64xf32, #tpu.memory_space<vmem>>
      %dma_wait3A_309 = tpu.memref_squeeze %dma_wait3A_308 : memref<1x200x64xf32, #tpu.memory_space<vmem>> -> memref<200x64xf32, #tpu.memory_space<vmem>>
      %dma_wait3A_310 = arith.constant 0 : i32
      %dma_wait3A_311 = arith.constant 0 : i32
      %dma_wait3A_312 = tpu.memref_slice %arg3[%dma_wait3A_310, %dma_wait3A_311] : memref<1000000x64xf32, #tpu.memory_space<hbm>> -> memref<200x64xf32, #tpu.memory_space<hbm>>
      %dma_wait3A_313 = arith.constant 0 : i32
      %dma_wait3A_314 = arith.constant 0 : i32
      %dma_wait3A_315 = tpu.memref_slice %arg6[%dma_wait3A_305, %dma_wait3A_313, %dma_wait3A_314] : memref<2x200x64xf32, #tpu.memory_space<vmem>> -> memref<1x200x64xf32, #tpu.memory_space<vmem>>
      %dma_wait3A_316 = tpu.memref_squeeze %dma_wait3A_315 : memref<1x200x64xf32, #tpu.memory_space<vmem>> -> memref<200x64xf32, #tpu.memory_space<vmem>>
      %dma_wait3A_317 = arith.constant 0 : i32
      %dma_wait3A_318 = arith.constant 0 : i32
      %dma_wait3A_319 = tpu.memref_slice %arg3[%dma_wait3A_317, %dma_wait3A_318] : memref<1000000x64xf32, #tpu.memory_space<hbm>> -> memref<200x64xf32, #tpu.memory_space<hbm>>
      tpu.wait_dma2 semaphore(%arg7 : memref<!tpu.dma_semaphore, #tpu.memory_space<semaphore_mem>>) src(%dma_wait3A_319 : memref<200x64xf32, #tpu.memory_space<hbm>>) dst(%dma_wait3A_316 : memref<200x64xf32, #tpu.memory_space<vmem>>)
      %add3A_320 = arith.addi %mul3A_2, %mul3A_39 : i32
      %dma_start3A_321 = arith.constant 0 : i32
      %dma_start3A_322 = arith.constant 0 : i32
      %dma_start3A_323 = arith.constant 0 : i32
      %dma_start3A_324 = tpu.memref_slice %arg6[%dma_start3A_321, %dma_start3A_322, %dma_start3A_323] : memref<2x200x64xf32, #tpu.memory_space<vmem>> -> memref<1x200x64xf32, #tpu.memory_space<vmem>>
      %dma_start3A_325 = tpu.memref_squeeze %dma_start3A_324 : memref<1x200x64xf32, #tpu.memory_space<vmem>> -> memref<200x64xf32, #tpu.memory_space<vmem>>
      %dma_start3A_326 = arith.constant 0 : i32
      %dma_start3A_327 = arith.constant 0 : i32
      %dma_start3A_328 = tpu.memref_slice %arg4[%add3A_320, %dma_start3A_326, %dma_start3A_327] : memref<4096x200x64xf32, #tpu.memory_space<hbm>> -> memref<1x200x64xf32, #tpu.memory_space<hbm>>
      %dma_start3A_329 = tpu.memref_squeeze %dma_start3A_328 : memref<1x200x64xf32, #tpu.memory_space<hbm>> -> memref<200x64xf32, #tpu.memory_space<hbm>>
      %dma_start3A_330 = arith.constant 0 : i32
      %dma_start3A_331 = arith.constant 0 : i32
      %dma_start3A_332 = tpu.memref_slice %arg4[%add3A_320, %dma_start3A_330, %dma_start3A_331] : memref<4096x200x64xf32, #tpu.memory_space<hbm>> -> memref<1x200x64xf32, #tpu.memory_space<hbm>>
      %dma_start3A_333 = tpu.memref_squeeze %dma_start3A_332 : memref<1x200x64xf32, #tpu.memory_space<hbm>> -> memref<200x64xf32, #tpu.memory_space<hbm>>
      %dma_start3A_334 = arith.constant 0 : i32
      %dma_start3A_335 = arith.constant 0 : i32
      %dma_start3A_336 = tpu.memref_slice %arg6[%dma_start3A_321, %dma_start3A_334, %dma_start3A_335] : memref<2x200x64xf32, #tpu.memory_space<vmem>> -> memref<1x200x64xf32, #tpu.memory_space<vmem>>
      %dma_start3A_337 = tpu.memref_squeeze %dma_start3A_336 : memref<1x200x64xf32, #tpu.memory_space<vmem>> -> memref<200x64xf32, #tpu.memory_space<vmem>>
      tpu.enqueue_dma source(%dma_start3A_337 : memref<200x64xf32, #tpu.memory_space<vmem>>) target(%dma_start3A_333 : memref<200x64xf32, #tpu.memory_space<hbm>>) target_semaphore(%arg9 : memref<!tpu.dma_semaphore, #tpu.memory_space<semaphore_mem>>)
      %dma_wait3A_338 = arith.constant 0 : i32
      %dma_wait3A_339 = arith.constant 0 : i32
      %dma_wait3A_340 = arith.constant 0 : i32
      %dma_wait3A_341 = tpu.memref_slice %arg6[%dma_wait3A_338, %dma_wait3A_339, %dma_wait3A_340] : memref<2x200x64xf32, #tpu.memory_space<vmem>> -> memref<1x200x64xf32, #tpu.memory_space<vmem>>
      %dma_wait3A_342 = tpu.memref_squeeze %dma_wait3A_341 : memref<1x200x64xf32, #tpu.memory_space<vmem>> -> memref<200x64xf32, #tpu.memory_space<vmem>>
      %dma_wait3A_343 = arith.constant 0 : i32
      %dma_wait3A_344 = arith.constant 0 : i32
      %dma_wait3A_345 = tpu.memref_slice %arg3[%dma_wait3A_343, %dma_wait3A_344] : memref<1000000x64xf32, #tpu.memory_space<hbm>> -> memref<200x64xf32, #tpu.memory_space<hbm>>
      %dma_wait3A_346 = arith.constant 0 : i32
      %dma_wait3A_347 = arith.constant 0 : i32
      %dma_wait3A_348 = tpu.memref_slice %arg6[%dma_wait3A_338, %dma_wait3A_346, %dma_wait3A_347] : memref<2x200x64xf32, #tpu.memory_space<vmem>> -> memref<1x200x64xf32, #tpu.memory_space<vmem>>
      %dma_wait3A_349 = tpu.memref_squeeze %dma_wait3A_348 : memref<1x200x64xf32, #tpu.memory_space<vmem>> -> memref<200x64xf32, #tpu.memory_space<vmem>>
      %dma_wait3A_350 = arith.constant 0 : i32
      %dma_wait3A_351 = arith.constant 0 : i32
      %dma_wait3A_352 = tpu.memref_slice %arg3[%dma_wait3A_350, %dma_wait3A_351] : memref<1000000x64xf32, #tpu.memory_space<hbm>> -> memref<200x64xf32, #tpu.memory_space<hbm>>
      tpu.wait_dma2 semaphore(%arg8 : memref<!tpu.dma_semaphore, #tpu.memory_space<semaphore_mem>>) src(%dma_wait3A_352 : memref<200x64xf32, #tpu.memory_space<hbm>>) dst(%dma_wait3A_349 : memref<200x64xf32, #tpu.memory_space<vmem>>)
      %add3A_353 = arith.addi %mul3A_2, %mul3A_39 : i32
      %add3A_354 = arith.constant 1 : i32
      %add3A_355 = arith.addi %add3A_353, %add3A_354 : i32
      %dma_start3A_356 = arith.constant 1 : i32
      %dma_start3A_357 = arith.constant 0 : i32
      %dma_start3A_358 = arith.constant 0 : i32
      %dma_start3A_359 = tpu.memref_slice %arg6[%dma_start3A_356, %dma_start3A_357, %dma_start3A_358] : memref<2x200x64xf32, #tpu.memory_space<vmem>> -> memref<1x200x64xf32, #tpu.memory_space<vmem>>
      %dma_start3A_360 = tpu.memref_squeeze %dma_start3A_359 : memref<1x200x64xf32, #tpu.memory_space<vmem>> -> memref<200x64xf32, #tpu.memory_space<vmem>>
      %dma_start3A_361 = arith.constant 0 : i32
      %dma_start3A_362 = arith.constant 0 : i32
      %dma_start3A_363 = tpu.memref_slice %arg4[%add3A_355, %dma_start3A_361, %dma_start3A_362] : memref<4096x200x64xf32, #tpu.memory_space<hbm>> -> memref<1x200x64xf32, #tpu.memory_space<hbm>>
      %dma_start3A_364 = tpu.memref_squeeze %dma_start3A_363 : memref<1x200x64xf32, #tpu.memory_space<hbm>> -> memref<200x64xf32, #tpu.memory_space<hbm>>
      %dma_start3A_365 = arith.constant 0 : i32
      %dma_start3A_366 = arith.constant 0 : i32
      %dma_start3A_367 = tpu.memref_slice %arg4[%add3A_355, %dma_start3A_365, %dma_start3A_366] : memref<4096x200x64xf32, #tpu.memory_space<hbm>> -> memref<1x200x64xf32, #tpu.memory_space<hbm>>
      %dma_start3A_368 = tpu.memref_squeeze %dma_start3A_367 : memref<1x200x64xf32, #tpu.memory_space<hbm>> -> memref<200x64xf32, #tpu.memory_space<hbm>>
      %dma_start3A_369 = arith.constant 0 : i32
      %dma_start3A_370 = arith.constant 0 : i32
      %dma_start3A_371 = tpu.memref_slice %arg6[%dma_start3A_356, %dma_start3A_369, %dma_start3A_370] : memref<2x200x64xf32, #tpu.memory_space<vmem>> -> memref<1x200x64xf32, #tpu.memory_space<vmem>>
      %dma_start3A_372 = tpu.memref_squeeze %dma_start3A_371 : memref<1x200x64xf32, #tpu.memory_space<vmem>> -> memref<200x64xf32, #tpu.memory_space<vmem>>
      tpu.enqueue_dma source(%dma_start3A_372 : memref<200x64xf32, #tpu.memory_space<vmem>>) target(%dma_start3A_368 : memref<200x64xf32, #tpu.memory_space<hbm>>) target_semaphore(%arg10 : memref<!tpu.dma_semaphore, #tpu.memory_space<semaphore_mem>>)
    }
    %scan3A_7 = arith.constant 64 : i32
    %dma_wait3A = arith.constant 0 : i32
    %dma_wait3A_8 = arith.constant 0 : i32
    %dma_wait3A_9 = arith.constant 0 : i32
    %dma_wait3A_10 = tpu.memref_slice %arg6[%dma_wait3A, %dma_wait3A_8, %dma_wait3A_9] : memref<2x200x64xf32, #tpu.memory_space<vmem>> -> memref<1x200x64xf32, #tpu.memory_space<vmem>>
    %dma_wait3A_11 = tpu.memref_squeeze %dma_wait3A_10 : memref<1x200x64xf32, #tpu.memory_space<vmem>> -> memref<200x64xf32, #tpu.memory_space<vmem>>
    %dma_wait3A_12 = arith.constant 0 : i32
    %dma_wait3A_13 = arith.constant 0 : i32
    %dma_wait3A_14 = tpu.memref_slice %arg3[%dma_wait3A_12, %dma_wait3A_13] : memref<1000000x64xf32, #tpu.memory_space<hbm>> -> memref<200x64xf32, #tpu.memory_space<hbm>>
    %dma_wait3A_15 = arith.constant 0 : i32
    %dma_wait3A_16 = arith.constant 0 : i32
    %dma_wait3A_17 = tpu.memref_slice %arg6[%dma_wait3A, %dma_wait3A_15, %dma_wait3A_16] : memref<2x200x64xf32, #tpu.memory_space<vmem>> -> memref<1x200x64xf32, #tpu.memory_space<vmem>>
    %dma_wait3A_18 = tpu.memref_squeeze %dma_wait3A_17 : memref<1x200x64xf32, #tpu.memory_space<vmem>> -> memref<200x64xf32, #tpu.memory_space<vmem>>
    %dma_wait3A_19 = arith.constant 0 : i32
    %dma_wait3A_20 = arith.constant 0 : i32
    %dma_wait3A_21 = tpu.memref_slice %arg3[%dma_wait3A_19, %dma_wait3A_20] : memref<1000000x64xf32, #tpu.memory_space<hbm>> -> memref<200x64xf32, #tpu.memory_space<hbm>>
    tpu.wait_dma2 semaphore(%arg9 : memref<!tpu.dma_semaphore, #tpu.memory_space<semaphore_mem>>) src(%dma_wait3A_21 : memref<200x64xf32, #tpu.memory_space<hbm>>) dst(%dma_wait3A_18 : memref<200x64xf32, #tpu.memory_space<vmem>>)
    %dma_wait3A_22 = arith.constant 0 : i32
    %dma_wait3A_23 = arith.constant 0 : i32
    %dma_wait3A_24 = arith.constant 0 : i32
    %dma_wait3A_25 = tpu.memref_slice %arg6[%dma_wait3A_22, %dma_wait3A_23, %dma_wait3A_24] : memref<2x200x64xf32, #tpu.memory_space<vmem>> -> memref<1x200x64xf32, #tpu.memory_space<vmem>>
    %dma_wait3A_26 = tpu.memref_squeeze %dma_wait3A_25 : memref<1x200x64xf32, #tpu.memory_space<vmem>> -> memref<200x64xf32, #tpu.memory_space<vmem>>
    %dma_wait3A_27 = arith.constant 0 : i32
    %dma_wait3A_28 = arith.constant 0 : i32
    %dma_wait3A_29 = tpu.memref_slice %arg3[%dma_wait3A_27, %dma_wait3A_28] : memref<1000000x64xf32, #tpu.memory_space<hbm>> -> memref<200x64xf32, #tpu.memory_space<hbm>>
    %dma_wait3A_30 = arith.constant 0 : i32
    %dma_wait3A_31 = arith.constant 0 : i32
    %dma_wait3A_32 = tpu.memref_slice %arg6[%dma_wait3A_22, %dma_wait3A_30, %dma_wait3A_31] : memref<2x200x64xf32, #tpu.memory_space<vmem>> -> memref<1x200x64xf32, #tpu.memory_space<vmem>>
    %dma_wait3A_33 = tpu.memref_squeeze %dma_wait3A_32 : memref<1x200x64xf32, #tpu.memory_space<vmem>> -> memref<200x64xf32, #tpu.memory_space<vmem>>
    %dma_wait3A_34 = arith.constant 0 : i32
    %dma_wait3A_35 = arith.constant 0 : i32
    %dma_wait3A_36 = tpu.memref_slice %arg3[%dma_wait3A_34, %dma_wait3A_35] : memref<1000000x64xf32, #tpu.memory_space<hbm>> -> memref<200x64xf32, #tpu.memory_space<hbm>>
    tpu.wait_dma2 semaphore(%arg10 : memref<!tpu.dma_semaphore, #tpu.memory_space<semaphore_mem>>) src(%dma_wait3A_36 : memref<200x64xf32, #tpu.memory_space<hbm>>) dst(%dma_wait3A_33 : memref<200x64xf32, #tpu.memory_space<vmem>>)
    return
  }
}

</mosaic_0001>

<sc_bundles>
// kernel: kernel.3.cloned.1.call-start
scs
__scs_entry_jumppad:
0x0: {  	(pc) =	sbr.rel $0x88, $3  }
0x1: {  	(tag) =	ssettag $0x0;
	lr =	simm.s32 $0x1  }
0x2: {  	[smem:$0x3F9F] =	sst lr;
	_ =	strace $0xD0000000  }
0x3: {  	_ = 	snop  }
0x4: {  	_ = 	snop  }
0x5: {  	_ = 	snop  }
0x6: {  	_ = 	snop  }
0x7: {  	_ = 	snop  }
__scs_overlays_trampoline_lowered:
0x8: {  	[smem:$0x3FAE] =	sst s0  }
0x9: {  	[smem:$0x3FAF] =	sst s1  }
0xa: {  	[smem:$0x3FB0] =	sst s2  }
0xb: {  	[smem:$0x3FB1] =	sst s3  }
0xc: {  	[smem:$0x3FB2] =	sst s4  }
0xd: {  	[smem:$0x3FB3] =	sst s5  }
0xe: {  	[smem:$0x3FB4] =	sst s6  }
0xf: {  	[smem:$0x3FB5] =	sst s7  }
0x10: {  	[smem:$0x3FB6] =	sst s8  }
0x11: {  	[smem:$0x3FB7] =	sst s9;
	s0 =	simm.s32 @!p0 $0x0  }
0x12: {  	s1 =	sld [smem:$0x3F9D];
	s0 =	simm.s32 @p0 $0x1  }
0x13: {  	[smem:$0x3FB8] =	sst s0;
	s0 =	simm.s32 @!p1 $0x0  }
0x14: {  	s2 =	sld [smem:$0x3F9C];
	s0 =	simm.s32 @p1 $0x1  }
0x15: {  	[smem:$0x3FB9] =	sst s0;
	s0 =	simm.s32 @!p2 $0x0  }
0x16: {  	s3 =	sld [smem:$0x3FDB];
	s0 =	simm.s32 @p2 $0x1  }
0x17: {  	s4 =	simm.s32 $0x1BF5;
	[smem:$0x3FBB] =	sst s0  }
0x18: {  	s0 =	sld [smem:$0x3F9E];
	_ =	swait.ge [sflag:s4], $0x0  }
0x19: {  	s7 =	sld [smem:$0x3F9F]  }
0x1a: {  	s8 =	sadd.s32 $0xFFFFE003, lr  }
0x1b: {  	s9 =	sadd.s32 $0xFFFFFEF7, lr;
	s5 =	simm.s32 $0xFFFFFFFF;
	p2 =	slt.u32 s8, $0xFFFFF086  }
0x1c: {  	p1 =	slt.u32 s9, $0xF7A;
	s5 =	simm.s32 @!p2 $0x0  }
0x1d: {  	s5 =	simm.s32 @p1 $0x1;
	p0 =	seq.s32 s7, s2  }
0x1e: {  	s7 =	smul.u32 @!p0 $0xF7A, s2;
	p2 =	seq.s32 @!p0 s5, $0x0  }
0x1f: {  	s9 =	smul.u32 $0xF7A, s1;
	s8 =	simm.s32 @!p0 $0x1BF5;
	p2 =	por !p2, p0  }
0x20: {  	[sflag:s8] =	ssyncset.s32 @!p0 $0xFFFFF086;
	s6 =	sadd.s32 @!p0 s3, s7;
	s7 =	simm.s32 @!p0 $0x108  }
0x21: {  	s3 =	sadd.s32 s3, s9;
	s6 =	sadd.s32 @!p0 $0x88, s6;
	s7 =	simm.s32 @p2 $0x1082  }
0x22: {  	[simem:s7], [sflag:s8] =	dma.local @!p0 [hbm:s6], $0xF7A  }
0x23: {  	s9 =	sor.u32 $0xD0000000, s2;
	s6 =	simm.s32 $0x108;
	_ =	swait.ge @!p0 [sflag:s8], $0x0  }
0x24: {  	s3 =	sadd.s32 $0x88, s3;
	s6 =	simm.s32 @!p1 $0x1082;
	[sflag:s4] =	ssyncset.s32 $0xFFFFF086  }
0x25: {  	[simem:s6], [sflag:s4] =	dma.local [hbm:s3], $0xF7A  }
0x26: {  	[smem:$0x3F9F] =	sst s1;
	(tag) =	ssettag s2;
	_ =	strace s9  }
0x27: {  	s1 =	sld [smem:$0x3FAF]  }
0x28: {  	s2 =	sld [smem:$0x3FB0]  }
0x29: {  	s4 =	sld [smem:$0x3FB2]  }
0x2a: {  	p0 =	seq.s32 s5, $0x0;
	s5 =	sld [smem:$0x3FB3]  }
0x2b: {  	s6 =	sld [smem:$0x3FB4]  }
0x2c: {  	s7 =	sld [smem:$0x3FB5]  }
0x2d: {  	s3 =	simm.s32 $0x108;
	s8 =	sld [smem:$0x3FB6]  }
0x2e: {  	s3 =	simm.s32 @!p0 $0x1082;
	s9 =	sld [smem:$0x3FB7]  }
0x2f: {  	lr =	sadd.s32 s0, s3;
	s0 =	sld [smem:$0x3FAE]  }
0x30: {  	s3 =	sld [smem:$0x3FB1]  }
0x31: {  	[smem:$0x3FBA] =	sst s10  }
0x32: {  	s10 =	sld [smem:$0x3FB8];
	_ =	sdelay $0x3  }
0x33: {  	p0 =	seq.s32 s10, $0x1;
	s10 =	sld [smem:$0x3FBA];
	_ =	sdelay $0x3  }
0x34: {  	[smem:$0x3FBA] =	sst s10  }
0x35: {  	s10 =	sld [smem:$0x3FB9];
	_ =	sdelay $0x3  }
0x36: {  	p1 =	seq.s32 s10, $0x1;
	s10 =	sld [smem:$0x3FBA];
	_ =	sdelay $0x3  }
0x37: {  	[smem:$0x3FBA] =	sst s10  }
0x38: {  	s10 =	sld [smem:$0x3FBB]  }
0x39: {  	_ = 	snop;
	(pc) =	sbr.ind lr, $3  }
0x3a: {  	_ = 	snop  }
0x3b: {  	_ = 	snop  }
0x3c: {  	p2 =	seq.s32 s10, $0x1;
	s10 =	sld [smem:$0x3FBA]  }
0x3d: {  	_ =	shalt  }
0x3e: {  	_ =	shalt  }
0x3f: {  	_ =	shalt  }
0x40: {  	_ =	shalt  }
0x41: {  	_ =	shalt  }
0x42: {  	_ =	shalt  }
0x43: {  	_ =	shalt  }
0x44: {  	_ =	shalt  }
0x45: {  	_ =	shalt  }
0x46: {  	_ =	shalt  }
0x47: {  	_ =	shalt  }
0x48: {  	_ =	shalt  }
0x49: {  	_ =	shalt  }
0x4a: {  	_ =	shalt  }
0x4b: {  	_ =	shalt  }
0x4c: {  	_ =	shalt  }
0x4d: {  	_ =	shalt  }
0x4e: {  	_ =	shalt  }
0x4f: {  	_ =	shalt  }
0x50: {  	_ =	shalt  }
0x51: {  	_ =	shalt  }
0x52: {  	_ =	shalt  }
0x53: {  	_ =	shalt  }
0x54: {  	_ =	shalt  }
0x55: {  	_ =	shalt  }
0x56: {  	_ =	shalt  }
0x57: {  	_ =	shalt  }
0x58: {  	_ =	shalt  }
0x59: {  	_ =	shalt  }
0x5a: {  	_ =	shalt  }
0x5b: {  	_ =	shalt  }
0x5c: {  	_ =	shalt  }
0x5d: {  	_ =	shalt  }
0x5e: {  	_ =	shalt  }
0x5f: {  	_ =	shalt  }
0x60: {  	_ =	shalt  }
0x61: {  	_ =	shalt  }
0x62: {  	_ =	shalt  }
0x63: {  	_ =	shalt  }
0x64: {  	_ =	shalt  }
0x65: {  	_ =	shalt  }
0x66: {  	_ =	shalt  }
0x67: {  	_ =	shalt  }
0x68: {  	_ =	shalt  }
0x69: {  	_ =	shalt  }
0x6a: {  	_ =	shalt  }
0x6b: {  	_ =	shalt  }
0x6c: {  	_ =	shalt  }
0x6d: {  	_ =	shalt  }
0x6e: {  	_ =	shalt  }
0x6f: {  	_ =	shalt  }
0x70: {  	_ =	shalt  }
0x71: {  	_ =	shalt  }
0x72: {  	_ =	shalt  }
0x73: {  	_ =	shalt  }
0x74: {  	_ =	shalt  }
0x75: {  	_ =	shalt  }
0x76: {  	_ =	shalt  }
0x77: {  	_ =	shalt  }
0x78: {  	_ =	shalt  }
0x79: {  	_ =	shalt  }
0x7a: {  	_ =	shalt  }
0x7b: {  	_ =	shalt  }
0x7c: {  	_ =	shalt  }
0x7d: {  	_ =	shalt  }
0x7e: {  	_ =	shalt  }
0x7f: {  	_ =	shalt  }
0x80: {  	_ =	shalt  }
0x81: {  	_ =	shalt  }
0x82: {  	_ =	shalt  }
0x83: {  	_ =	shalt  }
0x84: {  	_ =	shalt  }
0x85: {  	_ =	shalt  }
0x86: {  	_ =	shalt  }
0x87: {  	_ =	shalt  }
.Lfunc_end0:
.L_simem_size_0:
called_computation_lowered:
.L_overlay_start_0:
0x88: {  	s2 =	sld [smem:$0x3FD9]  }
0x89: {  	s3 =	sld [smem:$0x3FFE];
	_ =	sdelay $0x1  }
0x8a: {  	s1 =	srdreg.scid  }
0x8b: {  	s0 =	sand.u32 $0x1, s1  }
0x8c: {  	s17 =	sshll.u32 s0, $0xA;
	s2 =	sadd.s32 s3, s2  }
0x8d: {  	s2 =	sadd.s32 s2, s17  }
0x8e: {  	[smem:$0x3FC6] =	sst s2  }
0x8f: {  	_ = 	snop  }
0x90: {  	s2 =	sld [smem:$0x3FD0];
	(tm) =	ssettm $0x1  }
0x91: {  	s18 =	sld [smem:$0x3FFB];
	_ =	sdelay $0x3  }
0x92: {  	_ =	strace s18  }
0x93: {  	s3 =	sld [smem:$0x3FFC];
	_ =	sdelay $0x3  }
0x94: {  	_ =	strace s3  }
0x95: {  	s3 =	sld [smem:$0x3FFD];
	_ =	sdelay $0x3  }
0x96: {  	_ =	strace s3  }
0x97: {  	_ =	strace $0x8FFFFFFF  }
0x98: {  	s19 =	sld [smem:$0x3FDB];
	_ =	sdelay $0x1  }
0x99: {  	s4 =	simm.s32 $_scs_section_size  }
0x9a: {  	s5 =	simm.s32 $_size__tile_overlayer_lowered;
	s6 =	simm.s32 $_tile_overlayer_lowered  }
0x9b: {  	s22 =	simm.s32 $0x1BFF;
	s21 =	sshll.u32 s6, $0x1;
	s3 =	sadd.s32 s4, s19  }
0x9c: {  	s7 =	simm.s32 $0x0;
	s20 =	sshll.u32 s5, $0x1;
	s5 =	sadd.s32 s21, s3  }
0x9d: {  	[timem:s7], [sflag:s22] =	dma.local [hbm:s5], s20  }
0x9e: {  	_ =	swait.ge [sflag:s22], s20  }
0x9f: {  	s4 =	ssub.s32 $0x0, s20;
	[sflag:s22] =	ssyncset.done $0x0  }
0xa0: {  	[sflag:s22] =	ssyncadd.s32 s4;
	_ =	sdelay $0x1  }
0xa1: {  	s23 =	simm.s32 $0x1B8B  }
0xa2: {  	_ =	swait.ge [sflag:s23], $0x1  }
0xa3: {  	[sflag:s23] =	ssyncset.done $0x0  }
0xa4: {  	s25 =	simm.s32 $0x1B8E;
	s24 =	sld [smem:$0x3FFE];
	[sflag:s23] =	ssyncadd.s32 $0xFFFFFFFF  }
0xa5: {  	s26 =	simm.s32 $execute0_lowered;
	[smem:$0x3FD2] =	sst s25  }
0xa6: {  	s5 =	sshll.u32 s26, $0x1;
	_ =	strace $0x80000046;
	[dreg:$0x1] =	wrdreg $0xFFFFFFFF  }
0xa7: {  	s28 =	simm.s32 $_size_execute0_lowered;
	s3 =	sadd.s32 s3, s5;
	[dreg:$0x0] =	wrdreg $0x0  }
0xa8: {  	s5 =	sshll.u32 s28, $0x1;
	[dreg:$0x2] =	wrdreg s3  }
0xa9: {  	[dreg:$0x3] =	wrdreg s5  }
0xaa: {  	[dreg:$0x4] =	wrdreg $0xC0  }
0xab: {  	_ =	task [dreg:s7], $0x5FFFF  }
0xac: {  	[dreg:$0x1] =	wrdreg $0xFFFFFFFF  }
0xad: {  	[dreg:$0x0] =	wrdreg $0x60  }
0xae: {  	[dreg:$0x2] =	wrdreg s2  }
0xaf: {  	[dreg:$0x3] =	wrdreg s24  }
0xb0: {  	[dreg:$0x4] =	wrdreg $0x9  }
0xb1: {  	_ =	task.clear_ibuf [dreg:s7], $0x5FFFF;
	_ =	strace $0x90000046  }
0xb2: {  	s29 =	simm.s32 $0x9;
	_ =	strace $0x80000048  }
0xb3: {  	_ =	swait.ge [sflag:s29], $0x1  }
0xb4: {  	[sflag:s29] =	ssyncadd.s32 $0xFFFFFFFF  }
0xb5: {  	_ =	strace $0x90000048  }
0xb6: {  	_ =	sfence  }
0xb7: {  	s30 =	sld [smem:$0x0];
	_ =	sdelay $0x2  }
0xb8: {  	s31 =	sshll.u32 s1, $0xD;
	s1 =	sshrl.u32 s1, $0x2  }
0xb9: {  	s3 =	sand.u32 $0x4000, s31;
	s1 =	sadd.s32 s1, s30  }
0xba: {  	s0 =	sor.u32 s3, s0;
	s1 =	sshll.u32 s1, $0x11  }
0xbb: {  	s0 =	sor.u32 s1, s0  }
0xbc: {  	s0 =	sadd.s32 $0x8F2B, s0  }
0xbd: {  	[sflag:s0] =	ssyncadd.remote.s32 $0x1  }
0xbe: {  	_ =	sfence.sel $0xFFFF  }
0xbf: {  	[dreg:$0x0] =	wrdreg $0xFFFFFFFF;
	(pc) =	sbr.abs _section_cstart, $3  }
0xc0: {  	[dreg:$0x1] =	wrdreg $0xFFFFFFFF  }
0xc1: {  	_ =	task.clear_ibuf [dreg:s7], $0x2FFFF;
	_ =	strace $0x9FFFFFFF  }
0xc2: {  	(tm) =	ssettm $0x7FFFFFFF  }
0xc3: {  	_ =	shalt  }
tec
execute0_lowered:
.L_overlay_start_1:
0x0: {  	(tag) =	ssettag $0x1  }
0x1: {  	s0 =	rddreg [dreg:$0x0]  }
0x2: {  	s1 =	rddreg [dreg:$0x1]  }
0x3: {  	s2 =	simm.s32 $0x0;
	s3 =	srdreg.scid;
	s6 =	stileid.u32  }
0x4: {  	[smem:$0x7FF] =	sst s2;
	s4 =	sand.u32 $0x1, s3;
	s6 =	sshll.u32 s6, $0x1  }
0x5: {  	_ =	strace $0x80000047;
	s5 =	ssub.s32 $0x2, s4;
	s6 =	sor.u32 s4, s6  }
0x6: {  	s7 =	sshrl.u32 s5, $0x1;
	s29 =	sshll.u32 s6, $0xC;
	s30 =	sshll.u32 s6, $0x7  }
0x7: {  	s28 =	ssub.s32 s5, s7;
	[dreg:$0x4] =	wrdreg s30;
	s0 =	sadd.s32 s0, s29  }
0x8: {  	s3 =	sadd.s32 $0x400, s1;
	[dreg:$0x5] =	wrdreg s0;
	s31 =	smax.u32 s28, $0x1  }
0x9: {  	s4 =	sadd.s32 $0xF42800, s1;
	s5 =	simm.s32 $0x0;
	[dreg:$0x6] =	wrdreg s31  }
.LBB2_1:
0xa: {  	[dreg:$0x7] =	wrdreg s5  }
0xb: {  	s0 =	rddreg [dreg:$0x5];
	s31 =	simm.s32 $0x5  }
0xc: {  	[tilespmem:s2], [sflag:$0x5] =	stream.linear.gather [hbm4b:s0+s2], $0x8000, $0x38;
	[tilespmem:$0x14800] =	vst v63  }
0xd: {  	_ =	swait.ge [sflag:s31], $0x8000  }
0xe: {  	[sflag:s31] =	ssyncset.done $0x0  }
0xf: {  	s1 =	simm.s32 $0x0;
	[sflag:s31] =	ssyncadd.s32 $0xFFFF8000  }
.LBB2_2:
0x10: {  	p0 =	seq.s32 s1, $0x0  }
0x11: {  	s6 =	sshll.u32 s1, $0x9;
	s7 =	sshll.u32 s1, $0x8;
	s8 =	simm.s32 $0x0  }
0x12: {  	s0 =	simm.s32 @!p0 $0x3;
	s6 =	sand.u32 $0x7800, s6;
	s7 =	sand.u32 $0x300, s7  }
0x13: {  	s21 =	sand.u32 $0x400, s8;
	_ =	swait.ge @!p0 [sflag:s0], $0x6400;
	s7 =	sor.u32 s7, s6  }
0x14: {  	s8 =	sand.u32 $0x70, s8;
	[sflag:s0] =	ssyncset.done @!p0 $0x0;
	s6 =	sadd.s32 s21, s7  }
0x15: {  	[sflag:s0] =	ssyncadd.s32 @!p0 $0xFFFF9C00;
	s22 =	sadd.s32 s8, s6  }
0x16: {  	v0 =	vld [tilespmem:s22+$0x0];
	_ =	sdelay $0x4  }
0x17: {  	v0 =	vshll.u32 v0, $0x4  }
0x18: {  	(v2sf) =	vpush v0, $0x0  }
0x19: {  	(v2sf) =	vpush v0, $0x1  }
0x1a: {  	(v2sf) =	vpush v0, $0x2;
	_ =	sdelay $0x1  }
0x1b: {  	(v2sf) =	vpush v0, $0x3;
	_ =	sdelay $0x2  }
0x1c: {  	(v2sf) =	vpush v0, $0x4;
	_ =	sdelay $0x1  }
0x1d: {  	(v2sf) =	vpush v0, $0x5;
	_ =	sdelay $0x1  }
0x1e: {  	(v2sf) =	vpush v0, $0x6  }
0x1f: {  	s30 =	simm.s32 $0x4000  }
0x20: {  	s31 =	simm.s32 $0x80;
	s9 =	simm.s32 $0x8080;
	s14 =	simm.s32 $0x8300  }
0x21: {  	s15 =	simm.s32 $0x8380;
	s12 =	simm.s32 $0x8000;
	s16 =	simm.s32 $0x8200  }
0x22: {  	s24 =	simm.s32 $0x8100;
	s26 =	simm.s32 $0x8180;
	s11 =	spop (v2sf);
	(v2sf) =	vpush v0, $0x7  }
0x23: {  	s29 =	simm.s32 $0x8280;
	s11 =	sand.u32 $0x1FFFFFF0, s11;
	s13 =	spop (v2sf)  }
0x24: {  	s10 =	sand.u32 $0x400, s31;
	(v2sf) =	vpush v0, $0x8;
	s11 =	sadd.s32 s3, s11;
	s23 =	spop (v2sf)  }
0x25: {  	(v2sf) =	vpush v0, $0x9;
	[tilespmem:s12], [sflag:$0x1] =	stream.linear.gather [hbm4b:s11+s2], $0x80, $0x38;
	[tilespmem:$0x14800] =	vst v63  }
0x26: {  	s21 =	simm.s32 $0x8400;
	s13 =	sand.u32 $0x1FFFFFF0, s13;
	s25 =	spop (v2sf);
	(v2sf) =	vpush v0, $0xA  }
0x27: {  	s6 =	sshll.u32 s1, $0x1;
	s13 =	sadd.s32 s3, s13;
	s11 =	sand.u32 $0x1FFFFFF0, s23  }
0x28: {  	[tilespmem:s9], [sflag:$0x1] =	stream.linear.gather [hbm4b:s13+s2], $0x80, $0x38;
	[tilespmem:$0x14800] =	vst v63  }
0x29: {  	s17 =	spop (v2sf);
	s11 =	sadd.s32 s3, s11;
	s13 =	sand.u32 $0x1FFFFFF0, s25  }
0x2a: {  	[tilespmem:s24], [sflag:$0x1] =	stream.linear.gather [hbm4b:s11+s2], $0x80, $0x38;
	[tilespmem:$0x14800] =	vst v63  }
0x2b: {  	(v2sf) =	vpush v0, $0xB;
	s28 =	sand.u32 $0x1FFFFFF0, s17;
	s5 =	spop (v2sf);
	s13 =	sadd.s32 s3, s13  }
0x2c: {  	[tilespmem:s26], [sflag:$0x1] =	stream.linear.gather [hbm4b:s13+s2], $0x80, $0x38;
	[tilespmem:$0x14800] =	vst v63  }
0x2d: {  	s18 =	sand.u32 $0x1FFFFFF0, s5;
	s19 =	spop (v2sf);
	s11 =	sadd.s32 s3, s28  }
0x2e: {  	[tilespmem:s16], [sflag:$0x1] =	stream.linear.gather [hbm4b:s11+s2], $0x80, $0x38;
	[tilespmem:$0x14800] =	vst v63  }
0x2f: {  	s8 =	simm.s32 $0x2000;
	(v2sf) =	vpush v0, $0xC;
	s16 =	sand.u32 $0x1FFFFFF0, s19;
	s11 =	sadd.s32 s3, s18  }
0x30: {  	[tilespmem:s29], [sflag:$0x1] =	stream.linear.gather [hbm4b:s11+s2], $0x80, $0x38;
	[tilespmem:$0x14800] =	vst v63  }
0x31: {  	s0 =	simm.s32 $0x0;
	s16 =	sadd.s32 s3, s16;
	s20 =	spop (v2sf);
	(v2sf) =	vpush v0, $0xD  }
0x32: {  	[tilespmem:s14], [sflag:$0x1] =	stream.linear.gather [hbm4b:s16+s2], $0x80, $0x38;
	[tilespmem:$0x14800] =	vst v63  }
0x33: {  	s12 =	simm.s32 $0x8500;
	s9 =	simm.s32 $0x8780;
	s22 =	spop (v2sf);
	(v2sf) =	vpush v0, $0xE  }
0x34: {  	s13 =	simm.s32 $0x8580;
	s26 =	simm.s32 $0x8480;
	s18 =	spop (v2sf)  }
0x35: {  	s11 =	sadd.s32 s10, s7;
	s10 =	sand.u32 $0x1FFFFFF0, s20;
	s28 =	spop (v2sf);
	(v2sf) =	vpush v0, $0xF  }
0x36: {  	s14 =	simm.s32 $0x8600;
	s23 =	sand.u32 $0x1FFFFFF0, s22;
	s10 =	sadd.s32 s3, s10  }
0x37: {  	[tilespmem:s15], [sflag:$0x1] =	stream.linear.gather [hbm4b:s10+s2], $0x80, $0x38;
	[tilespmem:$0x14800] =	vst v63  }
0x38: {  	s24 =	sand.u32 $0x1FFFFFF0, s18;
	s25 =	sadd.s32 s3, s23;
	s15 =	simm.s32 $0x8680  }
0x39: {  	[tilespmem:s21], [sflag:$0x1] =	stream.linear.gather [hbm4b:s25+s2], $0x80, $0x38;
	[tilespmem:$0x14800] =	vst v63  }
0x3a: {  	s10 =	sadd.s32 s3, s24;
	s16 =	sand.u32 $0x1FFFFFF0, s28;
	s29 =	spop (v2sf)  }
0x3b: {  	[tilespmem:s26], [sflag:$0x1] =	stream.linear.gather [hbm4b:s10+s2], $0x80, $0x38;
	[tilespmem:$0x14800] =	vst v63  }
0x3c: {  	s17 =	sadd.s32 s3, s16;
	s16 =	sand.u32 $0x1FFFFFF0, s29;
	s10 =	simm.s32 $0x10  }
.LBB2_3:
0x3d: {  	p1 =	sne.s32 s30, $0x16000  }
0x3e: {  	s18 =	sand.u32 $0x70, s10;
	s19 =	spop (v2sf);
	s20 =	smov.u32 s30  }
0x3f: {  	[tilespmem:s12], [sflag:$0x1] =	stream.linear.gather [hbm4b:s17+s2], $0x80, $0x38;
	[tilespmem:$0x14800] =	vst v63  }
0x40: {  	s12 =	sadd.s32 s3, s16;
	s16 =	sand.u32 $0x1FFFFFF0, s19;
	s17 =	spop (v2sf)  }
0x41: {  	[tilespmem:s13], [sflag:$0x1] =	stream.linear.gather [hbm4b:s12+s2], $0x80, $0x38;
	[tilespmem:$0x14800] =	vst v63  }
0x42: {  	s12 =	sadd.s32 s3, s16;
	s13 =	sand.u32 $0x1FFFFFF0, s17;
	s16 =	spop (v2sf)  }
0x43: {  	[tilespmem:s14], [sflag:$0x1] =	stream.linear.gather [hbm4b:s12+s2], $0x80, $0x38;
	[tilespmem:$0x14800] =	vst v63  }
0x44: {  	s12 =	sadd.s32 s3, s13;
	s13 =	sand.u32 $0x1FFFFFF0, s16;
	s14 =	spop (v2sf)  }
0x45: {  	[tilespmem:s15], [sflag:$0x1] =	stream.linear.gather [hbm4b:s12+s2], $0x80, $0x38;
	[tilespmem:$0x14800] =	vst v63  }
0x46: {  	s0 =	sadd.s32 $0x8700, s0;
	s12 =	sadd.s32 s3, s13;
	s13 =	sand.u32 $0x1FFFFFF0, s14  }
0x47: {  	[tilespmem:s0], [sflag:$0x1] =	stream.linear.gather [hbm4b:s12+s2], $0x80, $0x38;
	[tilespmem:$0x14800] =	vst v63  }
0x48: {  	s30 =	sadd.s32 $0x2000, s30;
	s0 =	sadd.s32 s18, s11;
	s11 =	sadd.s32 s3, s13  }
0x49: {  	[tilespmem:s9], [sflag:$0x1] =	stream.linear.gather [hbm4b:s11+s2], $0x80, $0x38;
	[tilespmem:$0x14800] =	vst v63  }
0x4a: {  	v0 =	vld [tilespmem:s0+$0x0];
	_ =	sdelay $0x4  }
0x4b: {  	v0 =	vshll.u32 v0, $0x4  }
0x4c: {  	(v2sf) =	vpush v0, $0x0  }
0x4d: {  	(v2sf) =	vpush v0, $0x1  }
0x4e: {  	(v2sf) =	vpush v0, $0x2  }
0x4f: {  	(v2sf) =	vpush v0, $0x3;
	_ =	sdelay $0x1  }
0x50: {  	(v2sf) =	vpush v0, $0x4;
	_ =	sdelay $0x1  }
0x51: {  	s31 =	sadd.s32 $0x80, s31;
	(v2sf) =	vpush v0, $0x5  }
0x52: {  	s11 =	sand.u32 $0x400, s31;
	s0 =	sshra.s32 s8, $0x2;
	s8 =	smov.u32 s20  }
0x53: {  	s21 =	sadd.s32 $0x8080, s0;
	s17 =	sadd.s32 $0x8300, s0;
	s16 =	sadd.s32 $0x8380, s0;
	(v2sf) =	vpush v0, $0x6  }
0x54: {  	s22 =	sadd.s32 $0x8000, s0;
	s23 =	sadd.s32 $0x8200, s0;
	s12 =	sadd.s32 $0x8500, s0  }
0x55: {  	s20 =	sadd.s32 $0x8280, s0;
	s13 =	sadd.s32 $0x8580, s0;
	s9 =	sadd.s32 $0x8780, s0;
	(v2sf) =	vpush v0, $0x7  }
0x56: {  	s11 =	sadd.s32 s11, s7;
	s18 =	sadd.s32 $0x8400, s0;
	s14 =	sadd.s32 $0x8600, s0  }
0x57: {  	s15 =	sadd.s32 $0x8680, s0;
	(v2sf) =	vpush v0, $0x8  }
0x58: {  	s19 =	sadd.s32 $0x8480, s0  }
0x59: {  	s24 =	sadd.s32 $0x8180, s0;
	s26 =	spop (v2sf);
	(v2sf) =	vpush v0, $0x9  }
0x5a: {  	s10 =	sadd.s32 $0x10, s10;
	s26 =	sand.u32 $0x1FFFFFF0, s26;
	s29 =	spop (v2sf)  }
0x5b: {  	s5 =	sadd.s32 $0x8100, s0;
	s29 =	sand.u32 $0x1FFFFFF0, s29;
	s25 =	spop (v2sf);
	(v2sf) =	vpush v0, $0xA  }
0x5c: {  	s26 =	sadd.s32 s3, s26;
	s25 =	sand.u32 $0x1FFFFFF0, s25;
	s28 =	spop (v2sf)  }
0x5d: {  	[tilespmem:s22], [sflag:$0x1] =	stream.linear.gather [hbm4b:s26+s2], $0x80, $0x38;
	(v2sf) =	vpush v0, $0xB;
	[tilespmem:$0x14800] =	vst v63  }
0x5e: {  	s22 =	sadd.s32 s3, s29;
	s26 =	sand.u32 $0x1FFFFFF0, s28;
	s28 =	spop (v2sf)  }
0x5f: {  	[tilespmem:s21], [sflag:$0x1] =	stream.linear.gather [hbm4b:s22+s2], $0x80, $0x38;
	[tilespmem:$0x14800] =	vst v63  }
0x60: {  	s21 =	sadd.s32 s3, s25;
	s22 =	sand.u32 $0x1FFFFFF0, s28;
	s25 =	spop (v2sf)  }
0x61: {  	[tilespmem:s5], [sflag:$0x1] =	stream.linear.gather [hbm4b:s21+s2], $0x80, $0x38;
	(v2sf) =	vpush v0, $0xC;
	[tilespmem:$0x14800] =	vst v63  }
0x62: {  	s5 =	sadd.s32 s3, s26;
	s21 =	sand.u32 $0x1FFFFFF0, s25;
	s25 =	spop (v2sf)  }
0x63: {  	[tilespmem:s24], [sflag:$0x1] =	stream.linear.gather [hbm4b:s5+s2], $0x80, $0x38;
	(v2sf) =	vpush v0, $0xD;
	[tilespmem:$0x14800] =	vst v63  }
0x64: {  	s5 =	sadd.s32 s3, s22;
	s22 =	sand.u32 $0x1FFFFFF0, s25;
	s24 =	spop (v2sf)  }
0x65: {  	[tilespmem:s23], [sflag:$0x1] =	stream.linear.gather [hbm4b:s5+s2], $0x80, $0x38;
	(v2sf) =	vpush v0, $0xE;
	[tilespmem:$0x14800] =	vst v63  }
0x66: {  	s5 =	sadd.s32 s3, s21;
	s21 =	sand.u32 $0x1FFFFFF0, s24;
	s23 =	spop (v2sf)  }
0x67: {  	[tilespmem:s20], [sflag:$0x1] =	stream.linear.gather [hbm4b:s5+s2], $0x80, $0x38;
	(v2sf) =	vpush v0, $0xF;
	[tilespmem:$0x14800] =	vst v63  }
0x68: {  	s5 =	sadd.s32 s3, s22;
	s20 =	sand.u32 $0x1FFFFFF0, s23;
	s22 =	spop (v2sf)  }
0x69: {  	[tilespmem:s17], [sflag:$0x1] =	stream.linear.gather [hbm4b:s5+s2], $0x80, $0x38;
	[tilespmem:$0x14800] =	vst v63  }
0x6a: {  	s5 =	sadd.s32 s3, s21;
	s17 =	sand.u32 $0x1FFFFFF0, s22;
	s21 =	spop (v2sf)  }
0x6b: {  	[tilespmem:s16], [sflag:$0x1] =	stream.linear.gather [hbm4b:s5+s2], $0x80, $0x38;
	[tilespmem:$0x14800] =	vst v63  }
.Ltmp0:
0x6c: {  	_ = 	snop;
	(pc) =	sbr.rel @p1 .LBB2_3-.Ltmp0, $4  }
0x6d: {  	s5 =	sadd.s32 s3, s20;
	s16 =	sand.u32 $0x1FFFFFF0, s21;
	s20 =	spop (v2sf)  }
0x6e: {  	[tilespmem:s18], [sflag:$0x1] =	stream.linear.gather [hbm4b:s5+s2], $0x80, $0x38;
	[tilespmem:$0x14800] =	vst v63  }
0x6f: {  	s5 =	sadd.s32 s3, s17;
	s17 =	sadd.s32 s3, s16;
	s16 =	sand.u32 $0x1FFFFFF0, s20  }
0x70: {  	[tilespmem:s19], [sflag:$0x1] =	stream.linear.gather [hbm4b:s5+s2], $0x80, $0x38;
	[tilespmem:$0x14800] =	vst v63  }
0x71: {  	s5 =	sand.u32 $0x70, s10;
	s24 =	spop (v2sf)  }
0x72: {  	[tilespmem:s12], [sflag:$0x1] =	stream.linear.gather [hbm4b:s17+s2], $0x80, $0x38;
	[tilespmem:$0x14800] =	vst v63  }
0x73: {  	s25 =	sadd.s32 s3, s16;
	s10 =	sand.u32 $0x1FFFFFF0, s24;
	s26 =	spop (v2sf)  }
0x74: {  	[tilespmem:s13], [sflag:$0x1] =	stream.linear.gather [hbm4b:s25+s2], $0x80, $0x38;
	[tilespmem:$0x14800] =	vst v63  }
0x75: {  	s10 =	sadd.s32 s3, s10;
	s28 =	sand.u32 $0x1FFFFFF0, s26;
	s29 =	spop (v2sf)  }
0x76: {  	[tilespmem:s14], [sflag:$0x1] =	stream.linear.gather [hbm4b:s10+s2], $0x80, $0x38;
	[tilespmem:$0x14800] =	vst v63  }
0x77: {  	s12 =	sadd.s32 s3, s28;
	s14 =	sand.u32 $0x1FFFFFF0, s29;
	s16 =	spop (v2sf)  }
0x78: {  	[tilespmem:s15], [sflag:$0x1] =	stream.linear.gather [hbm4b:s12+s2], $0x80, $0x38;
	[tilespmem:$0x14800] =	vst v63  }
0x79: {  	s0 =	sadd.s32 $0x8700, s0;
	s17 =	sadd.s32 s3, s14;
	s18 =	sand.u32 $0x1FFFFFF0, s16  }
0x7a: {  	[tilespmem:s0], [sflag:$0x1] =	stream.linear.gather [hbm4b:s17+s2], $0x80, $0x38;
	[tilespmem:$0x14800] =	vst v63  }
0x7b: {  	s19 =	sadd.s32 s5, s11;
	s20 =	sadd.s32 s3, s18  }
0x7c: {  	[tilespmem:s9], [sflag:$0x1] =	stream.linear.gather [hbm4b:s20+s2], $0x80, $0x38;
	[tilespmem:$0x14800] =	vst v63  }
0x7d: {  	v0 =	vld [tilespmem:s19+$0x0];
	_ =	sdelay $0x4  }
0x7e: {  	v0 =	vshll.u32 v0, $0x4  }
0x7f: {  	(v2sf) =	vpush v0, $0x0  }
0x80: {  	(v2sf) =	vpush v0, $0x1  }
0x81: {  	(v2sf) =	vpush v0, $0x2;
	_ =	sdelay $0x1  }
0x82: {  	(v2sf) =	vpush v0, $0x3  }
0x83: {  	(v2sf) =	vpush v0, $0x4;
	_ =	sdelay $0x3  }
0x84: {  	(v2sf) =	vpush v0, $0x5;
	_ =	sdelay $0x1  }
0x85: {  	s0 =	sshra.s32 s8, $0x2;
	(v2sf) =	vpush v0, $0x6  }
0x86: {  	s21 =	sadd.s32 $0x8080, s0;
	s10 =	sadd.s32 $0x8300, s0  }
0x87: {  	s11 =	sadd.s32 $0x8380, s0;
	s22 =	sadd.s32 $0x8000, s0;
	s23 =	sadd.s32 $0x8200, s0;
	(v2sf) =	vpush v0, $0x7  }
0x88: {  	s14 =	sadd.s32 $0x8280, s0;
	s8 =	sadd.s32 $0x8580, s0;
	s17 =	sadd.s32 $0x8400, s0  }
0x89: {  	s12 =	sadd.s32 $0x8600, s0;
	s28 =	sadd.s32 $0x8100, s0;
	s24 =	spop (v2sf);
	(v2sf) =	vpush v0, $0x8  }
0x8a: {  	s5 =	sadd.s32 $0x8680, s0;
	s15 =	sand.u32 $0x1FFFFFF0, s24;
	s25 =	spop (v2sf)  }
0x8b: {  	s9 =	sadd.s32 $0x8500, s0;
	(v2sf) =	vpush v0, $0x9;
	s15 =	sadd.s32 s3, s15;
	s26 =	spop (v2sf)  }
0x8c: {  	[tilespmem:s22], [sflag:$0x1] =	stream.linear.gather [hbm4b:s15+s2], $0x80, $0x38;
	[tilespmem:$0x14800] =	vst v63  }
0x8d: {  	s20 =	sadd.s32 $0x8480, s0;
	s16 =	sand.u32 $0x1FFFFFF0, s25;
	(v2sf) =	vpush v0, $0xA;
	s29 =	spop (v2sf)  }
0x8e: {  	s16 =	sadd.s32 s3, s16;
	s15 =	sand.u32 $0x1FFFFFF0, s26;
	s18 =	spop (v2sf)  }
0x8f: {  	(v2sf) =	vpush v0, $0xB;
	[tilespmem:s21], [sflag:$0x1] =	stream.linear.gather [hbm4b:s16+s2], $0x80, $0x38;
	[tilespmem:$0x14800] =	vst v63  }
0x90: {  	s15 =	sadd.s32 s3, s15;
	s16 =	sand.u32 $0x1FFFFFF0, s29;
	s18 =	sand.u32 $0x1FFFFFF0, s18  }
0x91: {  	(v2sf) =	vpush v0, $0xC;
	[tilespmem:s28], [sflag:$0x1] =	stream.linear.gather [hbm4b:s15+s2], $0x80, $0x38;
	[tilespmem:$0x14800] =	vst v63  }
0x92: {  	s19 =	spop (v2sf);
	s16 =	sadd.s32 s3, s16;
	s15 =	sadd.s32 $0x8180, s0  }
0x93: {  	(v2sf) =	vpush v0, $0xD;
	[tilespmem:s15], [sflag:$0x1] =	stream.linear.gather [hbm4b:s16+s2], $0x80, $0x38;
	[tilespmem:$0x14800] =	vst v63  }
0x94: {  	s21 =	sand.u32 $0x1FFFFFF0, s19;
	s22 =	spop (v2sf);
	s15 =	sadd.s32 s3, s18  }
0x95: {  	(v2sf) =	vpush v0, $0xE;
	[tilespmem:s23], [sflag:$0x1] =	stream.linear.gather [hbm4b:s15+s2], $0x80, $0x38;
	[tilespmem:$0x14800] =	vst v63  }
0x96: {  	s16 =	sand.u32 $0x1FFFFFF0, s22;
	s23 =	spop (v2sf);
	s15 =	sadd.s32 s3, s21  }
0x97: {  	(v2sf) =	vpush v0, $0xF;
	[tilespmem:s14], [sflag:$0x1] =	stream.linear.gather [hbm4b:s15+s2], $0x80, $0x38;
	[tilespmem:$0x14800] =	vst v63  }
0x98: {  	s16 =	sadd.s32 s3, s16;
	s24 =	sand.u32 $0x1FFFFFF0, s23;
	s25 =	spop (v2sf)  }
0x99: {  	[tilespmem:s10], [sflag:$0x1] =	stream.linear.gather [hbm4b:s16+s2], $0x80, $0x38;
	[tilespmem:$0x14800] =	vst v63  }
0x9a: {  	s14 =	sadd.s32 s3, s24;
	s26 =	sand.u32 $0x1FFFFFF0, s25;
	s28 =	spop (v2sf)  }
0x9b: {  	[tilespmem:s11], [sflag:$0x1] =	stream.linear.gather [hbm4b:s14+s2], $0x80, $0x38;
	[tilespmem:$0x14800] =	vst v63  }
0x9c: {  	s29 =	sand.u32 $0x1FFFFFF0, s28;
	s15 =	spop (v2sf);
	s10 =	sadd.s32 s3, s26  }
0x9d: {  	[tilespmem:s17], [sflag:$0x1] =	stream.linear.gather [hbm4b:s10+s2], $0x80, $0x38;
	[tilespmem:$0x14800] =	vst v63  }
0x9e: {  	s16 =	sand.u32 $0x1FFFFFF0, s15;
	s11 =	sadd.s32 s3, s29;
	s17 =	spop (v2sf)  }
0x9f: {  	[tilespmem:s20], [sflag:$0x1] =	stream.linear.gather [hbm4b:s11+s2], $0x80, $0x38;
	[tilespmem:$0x14800] =	vst v63  }
0xa0: {  	s10 =	sadd.s32 s3, s16;
	s18 =	sand.u32 $0x1FFFFFF0, s17;
	s19 =	spop (v2sf)  }
0xa1: {  	[tilespmem:s9], [sflag:$0x1] =	stream.linear.gather [hbm4b:s10+s2], $0x80, $0x38;
	[tilespmem:$0x14800] =	vst v63  }
0xa2: {  	s20 =	sadd.s32 s3, s18;
	s21 =	sand.u32 $0x1FFFFFF0, s19;
	s22 =	spop (v2sf)  }
0xa3: {  	[tilespmem:s8], [sflag:$0x1] =	stream.linear.gather [hbm4b:s20+s2], $0x80, $0x38;
	[tilespmem:$0x14800] =	vst v63  }
0xa4: {  	s23 =	sadd.s32 s3, s21;
	s24 =	sand.u32 $0x1FFFFFF0, s22;
	s25 =	spop (v2sf)  }
0xa5: {  	[tilespmem:s12], [sflag:$0x1] =	stream.linear.gather [hbm4b:s23+s2], $0x80, $0x38;
	[tilespmem:$0x14800] =	vst v63  }
0xa6: {  	s26 =	sadd.s32 s3, s24;
	s28 =	sand.u32 $0x1FFFFFF0, s25;
	s29 =	spop (v2sf)  }
0xa7: {  	[tilespmem:s5], [sflag:$0x1] =	stream.linear.gather [hbm4b:s26+s2], $0x80, $0x38;
	[tilespmem:$0x14800] =	vst v63  }
0xa8: {  	s11 =	sadd.s32 $0x8700, s0;
	s12 =	sadd.s32 s3, s28;
	s13 =	sand.u32 $0x1FFFFFF0, s29  }
0xa9: {  	[tilespmem:s11], [sflag:$0x1] =	stream.linear.gather [hbm4b:s12+s2], $0x80, $0x38;
	[tilespmem:$0x14800] =	vst v63  }
0xaa: {  	s0 =	sadd.s32 $0x8780, s0;
	s14 =	sadd.s32 s3, s13  }
0xab: {  	[tilespmem:s0], [sflag:$0x1] =	stream.linear.gather [hbm4b:s14+s2], $0x80, $0x38;
	[tilespmem:$0x14800] =	vst v63  }
0xac: {  	v62 =	vld.msk [tilespmem:s7+$0x440], $0xff;
	_ =	sdelay $0x4  }
0xad: {  	v0 =	vshll.u32 v62, $0x4  }
0xae: {  	(v2sf) =	vpush v0, $0x0;
	_ =	sdelay $0x1  }
0xaf: {  	(v2sf) =	vpush v0, $0x1;
	_ =	sdelay $0x1  }
0xb0: {  	(v2sf) =	vpush v0, $0x2;
	_ =	sdelay $0x2  }
0xb1: {  	(v2sf) =	vpush v0, $0x3;
	_ =	sdelay $0x7  }
0xb2: {  	s15 =	spop (v2sf);
	(v2sf) =	vpush v0, $0x4;
	_ =	sdelay $0x1  }
0xb3: {  	s17 =	spop (v2sf);
	(v2sf) =	vpush v0, $0x5  }
0xb4: {  	s0 =	sand.u32 $0x1FFFFFF0, s15  }
0xb5: {  	s16 =	simm.s32 $0xE000;
	s0 =	sadd.s32 s3, s0;
	s19 =	spop (v2sf)  }
0xb6: {  	(v2sf) =	vpush v0, $0x6;
	[tilespmem:s16], [sflag:$0x1] =	stream.linear.gather [hbm4b:s0+s2], $0x80, $0x38;
	[tilespmem:$0x14800] =	vst v63  }
0xb7: {  	s0 =	sand.u32 $0x1FFFFFF0, s17  }
0xb8: {  	s18 =	simm.s32 $0xE080;
	s21 =	spop (v2sf);
	s0 =	sadd.s32 s3, s0  }
0xb9: {  	(v2sf) =	vpush v0, $0x7;
	[tilespmem:s18], [sflag:$0x1] =	stream.linear.gather [hbm4b:s0+s2], $0x80, $0x38;
	[tilespmem:$0x14800] =	vst v63  }
0xba: {  	s0 =	sand.u32 $0x1FFFFFF0, s19  }
0xbb: {  	s20 =	simm.s32 $0xE100;
	s0 =	sadd.s32 s3, s0  }
0xbc: {  	[tilespmem:s20], [sflag:$0x1] =	stream.linear.gather [hbm4b:s0+s2], $0x80, $0x38;
	[tilespmem:$0x14800] =	vst v63  }
0xbd: {  	s0 =	sand.u32 $0x1FFFFFF0, s21  }
0xbe: {  	s22 =	simm.s32 $0xE180;
	s0 =	sadd.s32 s3, s0  }
0xbf: {  	[tilespmem:s22], [sflag:$0x1] =	stream.linear.gather [hbm4b:s0+s2], $0x80, $0x38;
	[tilespmem:$0x14800] =	vst v63  }
0xc0: {  	s23 =	spop (v2sf)  }
0xc1: {  	s0 =	sand.u32 $0x1FFFFFF0, s23  }
0xc2: {  	s24 =	simm.s32 $0xE200;
	s25 =	spop (v2sf);
	s0 =	sadd.s32 s3, s0  }
0xc3: {  	[tilespmem:s24], [sflag:$0x1] =	stream.linear.gather [hbm4b:s0+s2], $0x80, $0x38;
	[tilespmem:$0x14800] =	vst v63  }
0xc4: {  	s0 =	sand.u32 $0x1FFFFFF0, s25  }
0xc5: {  	s26 =	simm.s32 $0xE280;
	s28 =	spop (v2sf);
	s0 =	sadd.s32 s3, s0  }
0xc6: {  	[tilespmem:s26], [sflag:$0x1] =	stream.linear.gather [hbm4b:s0+s2], $0x80, $0x38;
	[tilespmem:$0x14800] =	vst v63  }
0xc7: {  	s0 =	sand.u32 $0x1FFFFFF0, s28  }
0xc8: {  	s29 =	simm.s32 $0xE300;
	s8 =	spop (v2sf);
	s0 =	sadd.s32 s3, s0  }
0xc9: {  	[tilespmem:s29], [sflag:$0x1] =	stream.linear.gather [hbm4b:s0+s2], $0x80, $0x38;
	[tilespmem:$0x14800] =	vst v63  }
0xca: {  	s0 =	sand.u32 $0x1FFFFFF0, s8  }
0xcb: {  	s9 =	simm.s32 $0xE380;
	s0 =	sadd.s32 s3, s0  }
0xcc: {  	[tilespmem:s9], [sflag:$0x1] =	stream.linear.gather [hbm4b:s0+s2], $0x80, $0x38;
	[tilespmem:$0x14800] =	vst v63  }
0xcd: {  	s10 =	sadd.s32 $0x80, s7;
	s0 =	simm.s32 @!p0 $0x4  }
0xce: {  	s11 =	simm.s32 $0x0;
	_ =	swait.ge @!p0 [sflag:s0], $0x6400;
	[dreg:$0x3] =	wrdreg s10  }
0xcf: {  	s12 =	sand.u32 $0x400, s11;
	s5 =	rddreg [dreg:$0x3]  }
0xd0: {  	s8 =	sand.u32 $0x70, s11;
	[sflag:s0] =	ssyncset.done @!p0 $0x0;
	s5 =	sadd.s32 s12, s5  }
0xd1: {  	[sflag:s0] =	ssyncadd.s32 @!p0 $0xFFFF9C00;
	s13 =	sadd.s32 s8, s5  }
0xd2: {  	v63 =	vld [tilespmem:s13+$0x0];
	_ =	sdelay $0x4  }
0xd3: {  	v0 =	vshll.u32 v63, $0x4  }
0xd4: {  	(v2sf) =	vpush v0, $0x0  }
0xd5: {  	(v2sf) =	vpush v0, $0x1  }
0xd6: {  	(v2sf) =	vpush v0, $0x2;
	_ =	sdelay $0x2  }
0xd7: {  	(v2sf) =	vpush v0, $0x3;
	_ =	sdelay $0x1  }
0xd8: {  	(v2sf) =	vpush v0, $0x4;
	_ =	sdelay $0x1  }
0xd9: {  	(v2sf) =	vpush v0, $0x5;
	_ =	sdelay $0x1  }
0xda: {  	s30 =	simm.s32 $0x80;
	(v2sf) =	vpush v0, $0x6  }
0xdb: {  	s31 =	simm.s32 $0x4000;
	s15 =	simm.s32 $0xE880;
	s16 =	simm.s32 $0xE400  }
0xdc: {  	s19 =	simm.s32 $0xE480;
	s21 =	simm.s32 $0xE500;
	s23 =	simm.s32 $0xE580;
	(v2sf) =	vpush v0, $0x7  }
0xdd: {  	s11 =	simm.s32 $0xE600;
	s10 =	simm.s32 $0xE900;
	s9 =	rddreg [dreg:$0x3]  }
0xde: {  	s0 =	simm.s32 $0x0;
	s8 =	simm.s32 $0x2000;
	s14 =	spop (v2sf)  }
0xdf: {  	s5 =	sand.u32 $0x400, s30;
	s12 =	sand.u32 $0x1FFFFFF0, s14;
	s17 =	spop (v2sf)  }
0xe0: {  	(v2sf) =	vpush v0, $0x8;
	s14 =	sand.u32 $0x1FFFFFF0, s17;
	s18 =	spop (v2sf);
	s12 =	sadd.s32 s3, s12  }
0xe1: {  	(v2sf) =	vpush v0, $0x9;
	[tilespmem:s16], [sflag:$0x2] =	stream.linear.gather [hbm4b:s12+s2], $0x80, $0x38;
	[tilespmem:$0x14800] =	vst v63  }
0xe2: {  	s17 =	simm.s32 $0xE700;
	s20 =	sand.u32 $0x1FFFFFF0, s18;
	s14 =	sadd.s32 s3, s14  }
0xe3: {  	s22 =	spop (v2sf);
	s16 =	simm.s32 $0xE680;
	s18 =	simm.s32 $0xE780  }
0xe4: {  	(v2sf) =	vpush v0, $0xA;
	[tilespmem:s19], [sflag:$0x2] =	stream.linear.gather [hbm4b:s14+s2], $0x80, $0x38;
	[tilespmem:$0x14800] =	vst v63  }
0xe5: {  	s13 =	sadd.s32 s3, s20;
	s24 =	sand.u32 $0x1FFFFFF0, s22;
	s25 =	spop (v2sf)  }
0xe6: {  	(v2sf) =	vpush v0, $0xB;
	[tilespmem:s21], [sflag:$0x2] =	stream.linear.gather [hbm4b:s13+s2], $0x80, $0x38;
	[tilespmem:$0x14800] =	vst v63  }
0xe7: {  	s14 =	sand.u32 $0x1FFFFFF0, s25;
	s26 =	spop (v2sf);
	s13 =	sadd.s32 s3, s24  }
0xe8: {  	[tilespmem:s23], [sflag:$0x2] =	stream.linear.gather [hbm4b:s13+s2], $0x80, $0x38;
	[tilespmem:$0x14800] =	vst v63  }
0xe9: {  	s28 =	sand.u32 $0x1FFFFFF0, s26;
	s29 =	spop (v2sf);
	s14 =	sadd.s32 s3, s14  }
0xea: {  	[tilespmem:s11], [sflag:$0x2] =	stream.linear.gather [hbm4b:s14+s2], $0x80, $0x38;
	[tilespmem:$0x14800] =	vst v63  }
0xeb: {  	s12 =	sadd.s32 s3, s28;
	s21 =	spop (v2sf);
	s13 =	sand.u32 $0x1FFFFFF0, s29  }
0xec: {  	[tilespmem:s16], [sflag:$0x2] =	stream.linear.gather [hbm4b:s12+s2], $0x80, $0x38;
	[tilespmem:$0x14800] =	vst v63  }
0xed: {  	s20 =	simm.s32 $0xE800;
	s22 =	sand.u32 $0x1FFFFFF0, s21;
	s19 =	sadd.s32 s3, s13  }
0xee: {  	[tilespmem:s17], [sflag:$0x2] =	stream.linear.gather [hbm4b:s19+s2], $0x80, $0x38;
	[tilespmem:$0x14800] =	vst v63  }
0xef: {  	s13 =	simm.s32 $0xEA80;
	s11 =	simm.s32 $0xEB80;
	s23 =	spop (v2sf)  }
0xf0: {  	s12 =	sadd.s32 s5, s9;
	s5 =	sadd.s32 s3, s22;
	s24 =	spop (v2sf)  }
0xf1: {  	[tilespmem:s18], [sflag:$0x2] =	stream.linear.gather [hbm4b:s5+s2], $0x80, $0x38;
	[tilespmem:$0x14800] =	vst v63  }
0xf2: {  	s14 =	simm.s32 $0xE980;
	s9 =	sand.u32 $0x1FFFFFF0, s23;
	s25 =	sand.u32 $0x1FFFFFF0, s24  }
0xf3: {  	s9 =	sadd.s32 s3, s9;
	s26 =	spop (v2sf);
	s5 =	sadd.s32 s3, s25  }
0xf4: {  	(v2sf) =	vpush v0, $0xC;
	[tilespmem:s20], [sflag:$0x2] =	stream.linear.gather [hbm4b:s9+s2], $0x80, $0x38;
	[tilespmem:$0x14800] =	vst v63  }
0xf5: {  	(v2sf) =	vpush v0, $0xD;
	s28 =	sand.u32 $0x1FFFFFF0, s26;
	s29 =	spop (v2sf);
	s9 =	simm.s32 $0x10  }
0xf6: {  	(v2sf) =	vpush v0, $0xE;
	[tilespmem:s15], [sflag:$0x2] =	stream.linear.gather [hbm4b:s5+s2], $0x80, $0x38;
	[tilespmem:$0x14800] =	vst v63  }
0xf7: {  	(v2sf) =	vpush v0, $0xF;
	s19 =	sadd.s32 s3, s28;
	s17 =	sand.u32 $0x1FFFFFF0, s29;
	s15 =	simm.s32 $0xEA00  }
.LBB2_5:
0xf8: {  	_ =	sdelay $0x7  }
0xf9: {  	[tilespmem:s10], [sflag:$0x2] =	stream.linear.gather [hbm4b:s19+s2], $0x80, $0x38;
	[tilespmem:$0x14800] =	vst v63  }
0xfa: {  	s28 =	sadd.s32 s3, s17  }
0xfb: {  	[tilespmem:s14], [sflag:$0x2] =	stream.linear.gather [hbm4b:s28+s2], $0x80, $0x38;
	[tilespmem:$0x14800] =	vst v63  }
0xfc: {  	s16 =	spop (v2sf)  }
0xfd: {  	s5 =	sand.u32 $0x70, s9;
	s16 =	sand.u32 $0x1FFFFFF0, s16;
	s29 =	spop (v2sf)  }
0xfe: {  	s14 =	sadd.s32 s3, s16;
	s16 =	sand.u32 $0x1FFFFFF0, s29;
	s17 =	spop (v2sf)  }
0xff: {  	[tilespmem:s15], [sflag:$0x2] =	stream.linear.gather [hbm4b:s14+s2], $0x80, $0x38;
	[tilespmem:$0x14800] =	vst v63  }
0x100: {  	s19 =	sadd.s32 s3, s16;
	s20 =	sand.u32 $0x1FFFFFF0, s17;
	s21 =	spop (v2sf)  }
0x101: {  	[tilespmem:s13], [sflag:$0x2] =	stream.linear.gather [hbm4b:s19+s2], $0x80, $0x38;
	[tilespmem:$0x14800] =	vst v63  }
0x102: {  	s0 =	sadd.s32 $0xEB00, s0;
	s22 =	sadd.s32 s3, s20;
	s23 =	sand.u32 $0x1FFFFFF0, s21  }
0x103: {  	[tilespmem:s0], [sflag:$0x2] =	stream.linear.gather [hbm4b:s22+s2], $0x80, $0x38;
	[tilespmem:$0x14800] =	vst v63  }
0x104: {  	s24 =	sadd.s32 s5, s12;
	s25 =	sadd.s32 s3, s23  }
0x105: {  	[tilespmem:s11], [sflag:$0x2] =	stream.linear.gather [hbm4b:s25+s2], $0x80, $0x38;
	[tilespmem:$0x14800] =	vst v63  }
0x106: {  	v0 =	vld [tilespmem:s24+$0x0];
	_ =	sdelay $0x4  }
0x107: {  	v0 =	vshll.u32 v0, $0x4  }
0x108: {  	(v2sf) =	vpush v0, $0x0  }
0x109: {  	(v2sf) =	vpush v0, $0x1  }
0x10a: {  	(v2sf) =	vpush v0, $0x2;
	_ =	sdelay $0x1  }
0x10b: {  	(v2sf) =	vpush v0, $0x3;
	_ =	sdelay $0x1  }
0x10c: {  	(v2sf) =	vpush v0, $0x4  }
0x10d: {  	p0 =	sne.s32 s31, $0x16000  }
0x10e: {  	s18 =	smov.u32 s31;
	s31 =	sadd.s32 $0x2000, s31;
	s30 =	sadd.s32 $0x80, s30;
	(v2sf) =	vpush v0, $0x5  }
0x10f: {  	s9 =	sadd.s32 $0x10, s9;
	s26 =	sand.u32 $0x400, s30;
	s28 =	rddreg [dreg:$0x3]  }
0x110: {  	s12 =	sadd.s32 s26, s28;
	s0 =	sshra.s32 s8, $0x2;
	s8 =	smov.u32 s18;
	(v2sf) =	vpush v0, $0x6  }
0x111: {  	s21 =	sadd.s32 $0xE600, s0;
	s16 =	sadd.s32 $0xE880, s0;
	s10 =	sadd.s32 $0xE900, s0  }
0x112: {  	s23 =	sadd.s32 $0xE400, s0;
	s20 =	sadd.s32 $0xE700, s0;
	s19 =	sadd.s32 $0xE780, s0;
	(v2sf) =	vpush v0, $0x7  }
0x113: {  	s22 =	sadd.s32 $0xE680, s0;
	s17 =	sadd.s32 $0xE800, s0;
	s5 =	sadd.s32 $0xE580, s0  }
0x114: {  	s14 =	sadd.s32 $0xE980, s0;
	s13 =	sadd.s32 $0xEA80, s0;
	s15 =	sadd.s32 $0xEA00, s0;
	(v2sf) =	vpush v0, $0x8  }
0x115: {  	s26 =	sadd.s32 $0xE500, s0;
	s11 =	sadd.s32 $0xEB80, s0;
	s29 =	spop (v2sf)  }
0x116: {  	s24 =	sadd.s32 $0xE480, s0;
	(v2sf) =	vpush v0, $0x9;
	s18 =	sand.u32 $0x1FFFFFF0, s29;
	s25 =	spop (v2sf)  }
0x117: {  	s25 =	sand.u32 $0x1FFFFFF0, s25;
	s28 =	spop (v2sf);
	s18 =	sadd.s32 s3, s18  }
0x118: {  	(v2sf) =	vpush v0, $0xA;
	[tilespmem:s23], [sflag:$0x2] =	stream.linear.gather [hbm4b:s18+s2], $0x80, $0x38;
	[tilespmem:$0x14800] =	vst v63  }
0x119: {  	s28 =	sand.u32 $0x1FFFFFF0, s28;
	s29 =	spop (v2sf);
	(v2sf) =	vpush v0, $0xB;
	s25 =	sadd.s32 s3, s25  }
0x11a: {  	[tilespmem:s24], [sflag:$0x2] =	stream.linear.gather [hbm4b:s25+s2], $0x80, $0x38;
	[tilespmem:$0x14800] =	vst v63  }
0x11b: {  	s23 =	sand.u32 $0x1FFFFFF0, s29;
	s29 =	spop (v2sf);
	s28 =	sadd.s32 s3, s28  }
0x11c: {  	[tilespmem:s26], [sflag:$0x2] =	stream.linear.gather [hbm4b:s28+s2], $0x80, $0x38;
	[tilespmem:$0x14800] =	vst v63  }
0x11d: {  	s24 =	sand.u32 $0x1FFFFFF0, s29;
	s29 =	spop (v2sf);
	s28 =	sadd.s32 s3, s23  }
0x11e: {  	[tilespmem:s5], [sflag:$0x2] =	stream.linear.gather [hbm4b:s28+s2], $0x80, $0x38;
	[tilespmem:$0x14800] =	vst v63  }
0x11f: {  	s23 =	sand.u32 $0x1FFFFFF0, s29;
	s29 =	spop (v2sf);
	s26 =	sadd.s32 s3, s24  }
0x120: {  	[tilespmem:s21], [sflag:$0x2] =	stream.linear.gather [hbm4b:s26+s2], $0x80, $0x38;
	[tilespmem:$0x14800] =	vst v63  }
0x121: {  	s23 =	sadd.s32 s3, s23;
	s28 =	sand.u32 $0x1FFFFFF0, s29;
	s29 =	spop (v2sf)  }
0x122: {  	[tilespmem:s22], [sflag:$0x2] =	stream.linear.gather [hbm4b:s23+s2], $0x80, $0x38;
	[tilespmem:$0x14800] =	vst v63  }
0x123: {  	s24 =	sand.u32 $0x1FFFFFF0, s29;
	s25 =	spop (v2sf);
	s26 =	sadd.s32 s3, s28  }
0x124: {  	[tilespmem:s20], [sflag:$0x2] =	stream.linear.gather [hbm4b:s26+s2], $0x80, $0x38;
	[tilespmem:$0x14800] =	vst v63  }
0x125: {  	s28 =	sand.u32 $0x1FFFFFF0, s25;
	s21 =	sadd.s32 s3, s24;
	s29 =	spop (v2sf)  }
0x126: {  	[tilespmem:s19], [sflag:$0x2] =	stream.linear.gather [hbm4b:s21+s2], $0x80, $0x38;
	[tilespmem:$0x14800] =	vst v63  }
.Ltmp1:
0x127: {  	s25 =	sadd.s32 s3, s28;
	s24 =	spop (v2sf);
	(pc) =	sbr.rel @p0 .LBB2_5-.Ltmp1, $4  }
0x128: {  	(v2sf) =	vpush v0, $0xC;
	s23 =	sand.u32 $0x1FFFFFF0, s29;
	s26 =	sand.u32 $0x1FFFFFF0, s24;
	s28 =	spop (v2sf)  }
0x129: {  	(v2sf) =	vpush v0, $0xD;
	[tilespmem:s17], [sflag:$0x2] =	stream.linear.gather [hbm4b:s25+s2], $0x80, $0x38;
	[tilespmem:$0x14800] =	vst v63  }
0x12a: {  	(v2sf) =	vpush v0, $0xE;
	s29 =	sadd.s32 s3, s23;
	s19 =	sadd.s32 s3, s26;
	s17 =	sand.u32 $0x1FFFFFF0, s28  }
0x12b: {  	(v2sf) =	vpush v0, $0xF;
	[tilespmem:s16], [sflag:$0x2] =	stream.linear.gather [hbm4b:s29+s2], $0x80, $0x38;
	[tilespmem:$0x14800] =	vst v63  }
0x12c: {  	_ =	sdelay $0x7  }
0x12d: {  	[tilespmem:s10], [sflag:$0x2] =	stream.linear.gather [hbm4b:s19+s2], $0x80, $0x38;
	[tilespmem:$0x14800] =	vst v63  }
0x12e: {  	s5 =	sadd.s32 s3, s17  }
0x12f: {  	[tilespmem:s14], [sflag:$0x2] =	stream.linear.gather [hbm4b:s5+s2], $0x80, $0x38;
	[tilespmem:$0x14800] =	vst v63  }
0x130: {  	s19 =	spop (v2sf)  }
0x131: {  	s5 =	sand.u32 $0x1FFFFFF0, s19  }
0x132: {  	s20 =	spop (v2sf);
	s5 =	sadd.s32 s3, s5  }
0x133: {  	[tilespmem:s15], [sflag:$0x2] =	stream.linear.gather [hbm4b:s5+s2], $0x80, $0x38;
	[tilespmem:$0x14800] =	vst v63  }
0x134: {  	s5 =	sand.u32 $0x1FFFFFF0, s20  }
0x135: {  	s21 =	spop (v2sf);
	s5 =	sadd.s32 s3, s5  }
0x136: {  	[tilespmem:s13], [sflag:$0x2] =	stream.linear.gather [hbm4b:s5+s2], $0x80, $0x38;
	[tilespmem:$0x14800] =	vst v63  }
0x137: {  	s5 =	sand.u32 $0x1FFFFFF0, s21  }
0x138: {  	s0 =	sadd.s32 $0xEB00, s0;
	s22 =	spop (v2sf);
	s5 =	sadd.s32 s3, s5  }
0x139: {  	[tilespmem:s0], [sflag:$0x2] =	stream.linear.gather [hbm4b:s5+s2], $0x80, $0x38;
	[tilespmem:$0x14800] =	vst v63  }
0x13a: {  	s0 =	sand.u32 $0x1FFFFFF0, s22  }
0x13b: {  	s23 =	sand.u32 $0x70, s9;
	s0 =	sadd.s32 s3, s0  }
0x13c: {  	[tilespmem:s11], [sflag:$0x2] =	stream.linear.gather [hbm4b:s0+s2], $0x80, $0x38;
	[tilespmem:$0x14800] =	vst v63  }
0x13d: {  	s0 =	sadd.s32 s23, s12  }
0x13e: {  	v0 =	vld [tilespmem:s0+$0x0];
	_ =	sdelay $0x4  }
0x13f: {  	v0 =	vshll.u32 v0, $0x4  }
0x140: {  	(v2sf) =	vpush v0, $0x0;
	_ =	sdelay $0x1  }
0x141: {  	(v2sf) =	vpush v0, $0x1;
	_ =	sdelay $0x1  }
0x142: {  	(v2sf) =	vpush v0, $0x2;
	_ =	sdelay $0x2  }
0x143: {  	(v2sf) =	vpush v0, $0x3;
	_ =	sdelay $0x7  }
0x144: {  	s24 =	spop (v2sf);
	(v2sf) =	vpush v0, $0x4;
	_ =	sdelay $0x1  }
0x145: {  	s25 =	spop (v2sf);
	(v2sf) =	vpush v0, $0x5;
	_ =	sdelay $0x1  }
0x146: {  	s28 =	spop (v2sf);
	(v2sf) =	vpush v0, $0x6;
	_ =	sdelay $0x1  }
0x147: {  	s0 =	sshra.s32 s8, $0x2;
	s5 =	sand.u32 $0x1FFFFFF0, s24  }
0x148: {  	s8 =	sadd.s32 $0xE400, s0;
	s5 =	sadd.s32 s3, s5;
	s30 =	spop (v2sf);
	(v2sf) =	vpush v0, $0x7  }
0x149: {  	[tilespmem:s8], [sflag:$0x2] =	stream.linear.gather [hbm4b:s5+s2], $0x80, $0x38;
	[tilespmem:$0x14800] =	vst v63  }
0x14a: {  	s5 =	sand.u32 $0x1FFFFFF0, s25  }
0x14b: {  	s26 =	sadd.s32 $0xE480, s0;
	s5 =	sadd.s32 s3, s5  }
0x14c: {  	[tilespmem:s26], [sflag:$0x2] =	stream.linear.gather [hbm4b:s5+s2], $0x80, $0x38;
	[tilespmem:$0x14800] =	vst v63  }
0x14d: {  	s5 =	sand.u32 $0x1FFFFFF0, s28  }
0x14e: {  	s29 =	sadd.s32 $0xE500, s0;
	s5 =	sadd.s32 s3, s5  }
0x14f: {  	[tilespmem:s29], [sflag:$0x2] =	stream.linear.gather [hbm4b:s5+s2], $0x80, $0x38;
	[tilespmem:$0x14800] =	vst v63  }
0x150: {  	s9 =	spop (v2sf);
	(v2sf) =	vpush v0, $0x8  }
0x151: {  	s5 =	sand.u32 $0x1FFFFFF0, s30  }
0x152: {  	s31 =	sadd.s32 $0xE580, s0;
	s5 =	sadd.s32 s3, s5;
	s11 =	spop (v2sf);
	(v2sf) =	vpush v0, $0x9  }
0x153: {  	[tilespmem:s31], [sflag:$0x2] =	stream.linear.gather [hbm4b:s5+s2], $0x80, $0x38;
	[tilespmem:$0x14800] =	vst v63  }
0x154: {  	s5 =	sand.u32 $0x1FFFFFF0, s9;
	s13 =	spop (v2sf);
	(v2sf) =	vpush v0, $0xA  }
0x155: {  	s10 =	sadd.s32 $0xE600, s0;
	s5 =	sadd.s32 s3, s5  }
0x156: {  	[tilespmem:s10], [sflag:$0x2] =	stream.linear.gather [hbm4b:s5+s2], $0x80, $0x38;
	[tilespmem:$0x14800] =	vst v63  }
0x157: {  	s15 =	spop (v2sf);
	(v2sf) =	vpush v0, $0xB  }
0x158: {  	s5 =	sand.u32 $0x1FFFFFF0, s11  }
0x159: {  	s12 =	sadd.s32 $0xE680, s0;
	s5 =	sadd.s32 s3, s5  }
0x15a: {  	[tilespmem:s12], [sflag:$0x2] =	stream.linear.gather [hbm4b:s5+s2], $0x80, $0x38;
	[tilespmem:$0x14800] =	vst v63  }
0x15b: {  	s5 =	sand.u32 $0x1FFFFFF0, s13  }
0x15c: {  	s14 =	sadd.s32 $0xE700, s0;
	s5 =	sadd.s32 s3, s5  }
0x15d: {  	[tilespmem:s14], [sflag:$0x2] =	stream.linear.gather [hbm4b:s5+s2], $0x80, $0x38;
	[tilespmem:$0x14800] =	vst v63  }
0x15e: {  	s5 =	sand.u32 $0x1FFFFFF0, s15  }
0x15f: {  	s16 =	sadd.s32 $0xE780, s0;
	s5 =	sadd.s32 s3, s5;
	s17 =	spop (v2sf);
	(v2sf) =	vpush v0, $0xC  }
0x160: {  	[tilespmem:s16], [sflag:$0x2] =	stream.linear.gather [hbm4b:s5+s2], $0x80, $0x38;
	[tilespmem:$0x14800] =	vst v63  }
0x161: {  	s19 =	spop (v2sf);
	(v2sf) =	vpush v0, $0xD  }
0x162: {  	s5 =	sand.u32 $0x1FFFFFF0, s17  }
0x163: {  	s18 =	sadd.s32 $0xE800, s0;
	s5 =	sadd.s32 s3, s5;
	s21 =	spop (v2sf)  }
0x164: {  	(v2sf) =	vpush v0, $0xE;
	[tilespmem:s18], [sflag:$0x2] =	stream.linear.gather [hbm4b:s5+s2], $0x80, $0x38;
	[tilespmem:$0x14800] =	vst v63  }
0x165: {  	s5 =	sand.u32 $0x1FFFFFF0, s19  }
0x166: {  	s20 =	sadd.s32 $0xE880, s0;
	s23 =	spop (v2sf);
	s5 =	sadd.s32 s3, s5  }
0x167: {  	(v2sf) =	vpush v0, $0xF;
	[tilespmem:s20], [sflag:$0x2] =	stream.linear.gather [hbm4b:s5+s2], $0x80, $0x38;
	[tilespmem:$0x14800] =	vst v63  }
0x168: {  	s5 =	sand.u32 $0x1FFFFFF0, s21  }
0x169: {  	s22 =	sadd.s32 $0xE900, s0;
	s5 =	sadd.s32 s3, s5  }
0x16a: {  	[tilespmem:s22], [sflag:$0x2] =	stream.linear.gather [hbm4b:s5+s2], $0x80, $0x38;
	[tilespmem:$0x14800] =	vst v63  }
0x16b: {  	s5 =	sand.u32 $0x1FFFFFF0, s23  }
0x16c: {  	s24 =	sadd.s32 $0xE980, s0;
	s5 =	sadd.s32 s3, s5  }
0x16d: {  	[tilespmem:s24], [sflag:$0x2] =	stream.linear.gather [hbm4b:s5+s2], $0x80, $0x38;
	[tilespmem:$0x14800] =	vst v63  }
0x16e: {  	s25 =	spop (v2sf)  }
0x16f: {  	s5 =	sand.u32 $0x1FFFFFF0, s25  }
0x170: {  	s26 =	sadd.s32 $0xEA00, s0;
	s28 =	spop (v2sf);
	s5 =	sadd.s32 s3, s5  }
0x171: {  	[tilespmem:s26], [sflag:$0x2] =	stream.linear.gather [hbm4b:s5+s2], $0x80, $0x38;
	[tilespmem:$0x14800] =	vst v63  }
0x172: {  	s5 =	sand.u32 $0x1FFFFFF0, s28  }
0x173: {  	s29 =	sadd.s32 $0xEA80, s0;
	s30 =	spop (v2sf);
	s5 =	sadd.s32 s3, s5  }
0x174: {  	[tilespmem:s29], [sflag:$0x2] =	stream.linear.gather [hbm4b:s5+s2], $0x80, $0x38;
	[tilespmem:$0x14800] =	vst v63  }
0x175: {  	s5 =	sand.u32 $0x1FFFFFF0, s30  }
0x176: {  	s31 =	sadd.s32 $0xEB00, s0;
	s8 =	spop (v2sf);
	s5 =	sadd.s32 s3, s5  }
0x177: {  	[tilespmem:s31], [sflag:$0x2] =	stream.linear.gather [hbm4b:s5+s2], $0x80, $0x38;
	[tilespmem:$0x14800] =	vst v63  }
0x178: {  	s5 =	sand.u32 $0x1FFFFFF0, s8  }
0x179: {  	s0 =	sadd.s32 $0xEB80, s0;
	s5 =	sadd.s32 s3, s5  }
0x17a: {  	[tilespmem:s0], [sflag:$0x2] =	stream.linear.gather [hbm4b:s5+s2], $0x80, $0x38;
	[tilespmem:$0x14800] =	vst v63  }
0x17b: {  	v63 =	vld.msk [tilespmem:s7+$0x4C0], $0xff;
	_ =	sdelay $0x4  }
0x17c: {  	v0 =	vshll.u32 v63, $0x4  }
0x17d: {  	(v2sf) =	vpush v0, $0x0;
	_ =	sdelay $0x1  }
0x17e: {  	(v2sf) =	vpush v0, $0x1;
	_ =	sdelay $0x1  }
0x17f: {  	(v2sf) =	vpush v0, $0x2;
	_ =	sdelay $0x2  }
0x180: {  	(v2sf) =	vpush v0, $0x3;
	_ =	sdelay $0x7  }
0x181: {  	s9 =	spop (v2sf);
	(v2sf) =	vpush v0, $0x4;
	_ =	sdelay $0x1  }
0x182: {  	s11 =	spop (v2sf);
	(v2sf) =	vpush v0, $0x5  }
0x183: {  	s0 =	sand.u32 $0x1FFFFFF0, s9  }
0x184: {  	s10 =	simm.s32 $0x14400;
	s0 =	sadd.s32 s3, s0;
	s13 =	spop (v2sf)  }
0x185: {  	(v2sf) =	vpush v0, $0x6;
	[tilespmem:s10], [sflag:$0x2] =	stream.linear.gather [hbm4b:s0+s2], $0x80, $0x38;
	[tilespmem:$0x14800] =	vst v63  }
0x186: {  	s0 =	sand.u32 $0x1FFFFFF0, s11  }
0x187: {  	s12 =	simm.s32 $0x14480;
	s15 =	spop (v2sf);
	s0 =	sadd.s32 s3, s0  }
0x188: {  	(v2sf) =	vpush v0, $0x7;
	[tilespmem:s12], [sflag:$0x2] =	stream.linear.gather [hbm4b:s0+s2], $0x80, $0x38;
	[tilespmem:$0x14800] =	vst v63  }
0x189: {  	s0 =	sand.u32 $0x1FFFFFF0, s13  }
0x18a: {  	s14 =	simm.s32 $0x14500;
	s0 =	sadd.s32 s3, s0  }
0x18b: {  	[tilespmem:s14], [sflag:$0x2] =	stream.linear.gather [hbm4b:s0+s2], $0x80, $0x38;
	[tilespmem:$0x14800] =	vst v63  }
0x18c: {  	s0 =	sand.u32 $0x1FFFFFF0, s15  }
0x18d: {  	s16 =	simm.s32 $0x14580;
	s0 =	sadd.s32 s3, s0  }
0x18e: {  	[tilespmem:s16], [sflag:$0x2] =	stream.linear.gather [hbm4b:s0+s2], $0x80, $0x38;
	[tilespmem:$0x14800] =	vst v63  }
0x18f: {  	s17 =	spop (v2sf)  }
0x190: {  	s0 =	sand.u32 $0x1FFFFFF0, s17  }
0x191: {  	s18 =	simm.s32 $0x14600;
	s19 =	spop (v2sf);
	s0 =	sadd.s32 s3, s0  }
0x192: {  	[tilespmem:s18], [sflag:$0x2] =	stream.linear.gather [hbm4b:s0+s2], $0x80, $0x38;
	[tilespmem:$0x14800] =	vst v63  }
0x193: {  	s0 =	sand.u32 $0x1FFFFFF0, s19  }
0x194: {  	s20 =	simm.s32 $0x14680;
	s21 =	spop (v2sf);
	s0 =	sadd.s32 s3, s0  }
0x195: {  	[tilespmem:s20], [sflag:$0x2] =	stream.linear.gather [hbm4b:s0+s2], $0x80, $0x38;
	[tilespmem:$0x14800] =	vst v63  }
0x196: {  	s0 =	sand.u32 $0x1FFFFFF0, s21  }
0x197: {  	s22 =	simm.s32 $0x14700;
	s23 =	spop (v2sf);
	s0 =	sadd.s32 s3, s0  }
0x198: {  	[tilespmem:s22], [sflag:$0x2] =	stream.linear.gather [hbm4b:s0+s2], $0x80, $0x38;
	[tilespmem:$0x14800] =	vst v63  }
0x199: {  	s0 =	sand.u32 $0x1FFFFFF0, s23  }
0x19a: {  	s24 =	simm.s32 $0x14780;
	s25 =	rddreg [dreg:$0x4];
	s0 =	sadd.s32 s3, s0  }
0x19b: {  	[tilespmem:s24], [sflag:$0x2] =	stream.linear.gather [hbm4b:s0+s2], $0x80, $0x38;
	[tilespmem:$0x14800] =	vst v63  }
0x19c: {  	s26 =	simm.s32 $0x1;
	s0 =	sadd.s32 s25, s6  }
0x19d: {  	s1 =	sadd.s32 $0x1, s1;
	_ =	swait.ge [sflag:s26], $0x6400;
	s28 =	smul.u32 $0xC80, s0  }
0x19e: {  	p0 =	sne.s32 s1, $0x40;
	s29 =	simm.s32 $0x8000;
	[sflag:s26] =	ssyncset.done $0x0  }
0x19f: {  	s0 =	smul.u32 $0x6400, s0;
	[sflag:s26] =	ssyncadd.s32 $0xFFFF9C00;
	s5 =	sadd.s32 s4, s28  }
0x1a0: {  	[hbm4b:s5+s2] =	stream.linear.scatter [tilespmem:s29], [sflag:$0x3], $0x6400, $0x38;
	[tilespmem:$0x14800] =	vst v63  }
.Ltmp2:
0x1a1: {  	s30 =	simm.s32 $0x2;
	(pc) =	sbr.rel @p0 .LBB2_2-.Ltmp2, $4  }
0x1a2: {  	s0 =	sshrl.u32 s0, $0x3;
	_ =	swait.ge [sflag:s30], $0x6400  }
0x1a3: {  	s0 =	sadd.s32 s4, s0;
	[sflag:s30] =	ssyncset.done $0x0  }
0x1a4: {  	s31 =	simm.s32 $0xE400;
	s0 =	sadd.s32 $0xC80, s0;
	[sflag:s30] =	ssyncadd.s32 $0xFFFF9C00  }
0x1a5: {  	[hbm4b:s0+s2] =	stream.linear.scatter [tilespmem:s31], [sflag:$0x4], $0x6400, $0x38;
	[tilespmem:$0x14800] =	vst v63  }
0x1a6: {  	s0 =	simm.s32 $0x3  }
0x1a7: {  	_ =	swait.ge [sflag:s0], $0x6400  }
0x1a8: {  	[sflag:s0] =	ssyncset.done $0x0  }
0x1a9: {  	s1 =	simm.s32 $0x4;
	[sflag:s0] =	ssyncadd.s32 $0xFFFF9C00  }
0x1aa: {  	_ =	swait.ge [sflag:s1], $0x6400  }
0x1ab: {  	s5 =	rddreg [dreg:$0x7]  }
0x1ac: {  	s31 =	rddreg [dreg:$0x6];
	s5 =	sadd.s32 $0x1, s5  }
0x1ad: {  	p0 =	sne.s32 s5, s31  }
.Ltmp3:
0x1ae: {  	_ = 	snop;
	(pc) =	sbr.rel @p0 .LBB2_1-.Ltmp3, $3  }
0x1af: {  	_ =	sdelay $0x1  }
0x1b0: {  	[sflag:s1] =	ssyncset.done $0x0  }
0x1b1: {  	[sflag:s1] =	ssyncadd.s32 $0xFFFF9C00  }
0x1b2: {  	_ =	sfence.sel $0x180000  }
0x1b3: {  	[bflag:$0x0] =	sbarrier.arrive $0xFFFF  }
0x1b4: {  	_ =	strace $0x90000047  }
0x1b5: {  	s0 =	stileid.u32;
	[bflag:$0x2] =	sbarrier.arrive $0xFFFF  }
0x1b6: {  	p0 =	sne.s32 s0, $0x0;
	s0 =	rddreg [dreg:$0x2]  }
0x1b7: {  	s0 =	sadd.s32 @!p0 $0x100000, s0  }
0x1b8: {  	[sflag:s0] =	ssyncadd.tile.s32 @!p0 $0x1;
	_ =	shalt  }
.Lfunc_end2:
_tile_overlayer_lowered:
.L_overlay_start_2:
0x1b9: {  	(tag) =	ssettag $0x2  }
0x1ba: {  	s0 =	rddreg [dreg:$0x0];
	s2 =	stileid.u32  }
0x1bb: {  	s1 =	rddreg [dreg:$0x1];
	p0 =	sne.s32 s2, $0x0  }
0x1bc: {  	s3 =	rddreg [dreg:$0x2];
	[bflag:$0x3] =	sbarrier.arrive $0xFFFF;
	s2 =	simm.s32 @!p0 $0x1C05  }
0x1bd: {  	[timem:s3], [sflag:s2] =	dma.local @!p0 [hbm:s0], s1  }
0x1be: {  	s0 =	simm.s32 @!p0 $0x5  }
0x1bf: {  	_ =	swait.ge @!p0 [sflag:s0], s1  }
0x1c0: {  	s1 =	ssub.s32 @!p0 $0x0, s1;
	[sflag:s0] =	ssyncset.done @!p0 $0x0  }
0x1c1: {  	[sflag:s0] =	ssyncadd.s32 @!p0 s1  }
0x1c2: {  	[bflag:$0x3] =	sbarrier.arrive $0xFFFF  }
0x1c3: {  	_ =	shalt  }

</sc_bundles>
